<compile_context>
chip_gen: v7x
topology: tpu7x:2x2x1
jax: 0.10.2.dev20260603
libtpu: 0.0.44.dev20260713+nightly
codegen_flags: <defaults>
</compile_context>

<pallas_src>
import jax
import jax.numpy as jnp
from jax import lax
from jax.experimental import pallas as pl
from jax.experimental.pallas import tpu as pltpu
from jax.experimental.pallas import tpu_sc as plsc

_IGNORE = 255
_N, _C = 65536, 512
_NW = 32
_CHUNK = _N // _NW
_GCH = 128
_NG = _CHUNK // _GCH
_VPG = _GCH // 16


def _sc_body(logits_hbm, tgt_hbm, out_hbm, tgt_v, flat_v, gath_v, part_v,
             *sems):
    cid = lax.axis_index("c")
    sid = lax.axis_index("s")
    wid = sid * 2 + cid
    base = wid * _CHUNK

    pltpu.sync_copy(tgt_hbm.at[pl.ds(base, _CHUNK)], tgt_v)

    lanes = lax.iota(jnp.int32, 16)
    lane_const = (lanes >> 3) * 4096 + (lanes & 7) * 128
    base_off = lane_const + base * _C

    one = jnp.ones((16,), jnp.float32)
    zero = jnp.zeros((16,), jnp.float32)

    def make_idx_body(sem):
        def idx_body(q, cnt):
            for u in range(4):
                j = q * 4 + u
                t = tgt_v[pl.ds(j * 16, 16)]
                m = t != _IGNORE
                cnt = cnt + jnp.where(m, one, zero)
                safe = jnp.where(m, t, 0)
                off = safe + (safe >> 7) * 896 + (base_off + j * 8192)
                flat_v[pl.ds(j * 16, 16)] = off

            @pl.when(q % 2 == 1)
            def _():
                c = (q - 1) * 64
                pltpu.async_copy(
                    logits_hbm.at[flat_v.at[pl.ds(c, _GCH)]],
                    gath_v.at[pl.ds(c, _GCH)],
                    sem,
                )
            return cnt

        return idx_body

    half_q = _CHUNK // 128
    cnt = lax.fori_loop(0, half_q, make_idx_body(sems[0]), zero)
    cnt = lax.fori_loop(half_q, 2 * half_q, make_idx_body(sems[1]), cnt)

    def red_body(q, acc):
        for u in range(4):
            j = q * 4 + u
            g = gath_v[pl.ds(j * 16, 16)]
            t = tgt_v[pl.ds(j * 16, 16)]
            d = 1.0 - g
            acc = acc + jnp.where(t != _IGNORE, d * d, zero)
        return acc

    half = _CHUNK // 2
    pltpu.make_async_copy(
        logits_hbm.at[pl.ds(0, half)], gath_v.at[pl.ds(0, half)], sems[0]
    ).wait()
    acc = lax.fori_loop(0, half_q, red_body, zero)
    pltpu.make_async_copy(
        logits_hbm.at[pl.ds(0, half)], gath_v.at[pl.ds(half, half)], sems[1]
    ).wait()
    acc = lax.fori_loop(half_q, 2 * half_q, red_body, acc)

    part_v[0, :] = acc
    part_v[1, :] = cnt
    pltpu.sync_copy(part_v.at[0], out_hbm.at[0, pl.ds(wid * 16, 16)])
    pltpu.sync_copy(part_v.at[1], out_hbm.at[1, pl.ds(wid * 16, 16)])


_sc_call = pl.kernel(
    _sc_body,
    out_type=jax.ShapeDtypeStruct((2, _NW * 16), jnp.float32),
    scratch_types=[
        pltpu.VMEM((_CHUNK,), jnp.int32),
        pltpu.VMEM((_CHUNK,), jnp.int32),
        pltpu.VMEM((_CHUNK,), jnp.float32),
        pltpu.VMEM((2, 16), jnp.float32),
    ] + [pltpu.SemaphoreType.DMA] * 2,
    mesh=plsc.VectorSubcoreMesh(core_axis_name="c", subcore_axis_name="s"),
)


@jax.jit
def kernel(contrast_logits, contrast_target):
    tiles = contrast_logits.reshape(_N // 8, 8, _C // 128, 128)
    flat = tiles.transpose(0, 2, 1, 3).reshape(-1)
    partials = _sc_call(flat, contrast_target)
    total = jnp.sum(partials[0])
    count = jnp.sum(partials[1])
    return total / jnp.maximum(count, 1.0)

# --- scband reference (transcript-rebuilt; emitter-appended) ---
"""Pipeline reference for scband-adlcom-loss-25005299598025 (READ-ONLY COPY).

The authoritative reference and input builder live on the scoring server;
editing this copy changes nothing except your own understanding.
"""

import jax, jax.numpy as jnp
import numpy as np

IGNORE_LABEL = 255
N, C = 65536, 512

def setup_inputs(seed: int = 0) -> dict:
    key = jax.random.key(seed)
    k1, k2 = jax.random.split(key)
    contrast_logits = jax.random.normal(k1, (N, C), dtype=jnp.float32)
    contrast_target = jax.random.randint(k2, (N,), 0, C, dtype=jnp.int32)
    return {"contrast_logits": contrast_logits, "contrast_target": contrast_target}

def reference(contrast_logits, contrast_target):
    # torch: logits = contrast_logits[mask]; target = contrast_target[mask];
    #        gathered = gather(logits, 1, target[:,None]); loss = (1-gathered)^2 .mean()
    # Equivalent masked-mean formulation (avoids dynamic shapes):
    mask = (contrast_target != IGNORE_LABEL)
    maskf = mask.astype(jnp.float32)
    safe_tgt = jnp.where(mask, contrast_target, 0)
    gathered = jnp.take_along_axis(contrast_logits, safe_tgt[:, None], axis=1)[:, 0]
    sq = (1.0 - gathered) ** 2
    denom = jnp.maximum(jnp.sum(maskf), 1.0)
    adl_com_loss = jnp.sum(sq * maskf) / denom
    return adl_com_loss

if __name__ == "__main__":
    import jax
    _d = setup_inputs()
    print(jax.jit(kernel)(*tuple(_d.values())))

</pallas_src>

<mosaic_0001>
#map = affine_map<(d0, d1) -> (0)>
#map1 = affine_map<(d0, d1) -> (0, 0)>
module attributes {stable_mosaic.version = 14 : i64} {
  func.func @_sc_body(%arg0: i32, %arg1: i32, %arg2: memref<33554432xf32, #tpu.memory_space<hbm>>, %arg3: memref<65536xi32, #tpu.memory_space<hbm>>, %arg4: memref<2x512xf32, #tpu.memory_space<hbm>>, %arg5: memref<2048xi32, #tpu.memory_space<vmem>>, %arg6: memref<2048xi32, #tpu.memory_space<vmem>>, %arg7: memref<2048xf32, #tpu.memory_space<vmem>>, %arg8: memref<2x16xf32, #tpu.memory_space<vmem>>, %arg9: memref<!tpu.dma_semaphore, #tpu.memory_space<semaphore_mem>>, %arg10: memref<!tpu.dma_semaphore, #tpu.memory_space<semaphore_mem>>) attributes {dimension_semantics = [#tpu.dimension_semantics<core_parallel>, #tpu.dimension_semantics<subcore_parallel>], iteration_bounds = array<i64: 2, 16>, scalar_prefetch = 0 : i64, scratch_operands = 6 : i64, tpu.core_type = #tpu.core_type<sc_vector_subcore>, window_params = [{transform_indices = #map}, {transform_indices = #map}, {transform_indices = #map1}]} {
    %mul3A = arith.constant 2 : i32
    %mul3A_0 = arith.muli %arg1, %mul3A : i32
    %add3A = arith.addi %mul3A_0, %arg0 : i32
    %mul3A_1 = arith.constant 2048 : i32
    %mul3A_2 = arith.muli %add3A, %mul3A_1 : i32
    "tpu.region"() ({
      %run_scoped3A_77 = tpu.sem_alloc : memref<!tpu.dma_semaphore, #tpu.memory_space<semaphore_mem>>
      %dma_start3A = tpu.memref_slice %arg3[%mul3A_2] : memref<65536xi32, #tpu.memory_space<hbm>> -> memref<2048xi32, #tpu.memory_space<hbm>>
      %dma_start3A_78 = tpu.memref_slice %arg3[%mul3A_2] : memref<65536xi32, #tpu.memory_space<hbm>> -> memref<2048xi32, #tpu.memory_space<hbm>>
      tpu.enqueue_dma source(%dma_start3A_78 : memref<2048xi32, #tpu.memory_space<hbm>>) target(%arg5 : memref<2048xi32, #tpu.memory_space<vmem>>) target_semaphore(%run_scoped3A_77 : memref<!tpu.dma_semaphore, #tpu.memory_space<semaphore_mem>>)
      %dma_wait3A_79 = tpu.memref_slice %arg3[%mul3A_2] : memref<65536xi32, #tpu.memory_space<hbm>> -> memref<2048xi32, #tpu.memory_space<hbm>>
      %dma_wait3A_80 = tpu.memref_slice %arg3[%mul3A_2] : memref<65536xi32, #tpu.memory_space<hbm>> -> memref<2048xi32, #tpu.memory_space<hbm>>
      tpu.wait_dma2 semaphore(%run_scoped3A_77 : memref<!tpu.dma_semaphore, #tpu.memory_space<semaphore_mem>>) src(%dma_wait3A_80 : memref<2048xi32, #tpu.memory_space<hbm>>) dst(%arg5 : memref<2048xi32, #tpu.memory_space<vmem>>)
      tpu.yield
    }) : () -> ()
    %iota3A = tpu.iota {dimensions = array<i32: 0>} : vector<16xi32>
    %shift_right_arithmetic3A = arith.constant 3 : i32
    %shift_right_arithmetic3A_3 = vector.broadcast %shift_right_arithmetic3A : i32 to vector<16xi32>
    %shift_right_arithmetic3A_4 = arith.shrsi %iota3A, %shift_right_arithmetic3A_3 : vector<16xi32>
    %mul3A_5 = arith.constant 4096 : i32
    %mul3A_6 = vector.broadcast %mul3A_5 : i32 to vector<16xi32>
    %mul3A_7 = arith.muli %shift_right_arithmetic3A_4, %mul3A_6 : vector<16xi32>
    %and3A = arith.constant 7 : i32
    %and3A_8 = vector.broadcast %and3A : i32 to vector<16xi32>
    %and3A_9 = arith.andi %iota3A, %and3A_8 : vector<16xi32>
    %mul3A_10 = arith.constant 128 : i32
    %mul3A_11 = vector.broadcast %mul3A_10 : i32 to vector<16xi32>
    %mul3A_12 = arith.muli %and3A_9, %mul3A_11 : vector<16xi32>
    %add3A_13 = arith.addi %mul3A_7, %mul3A_12 : vector<16xi32>
    %mul3A_14 = arith.constant 512 : i32
    %mul3A_15 = arith.muli %mul3A_2, %mul3A_14 : i32
    %add3A_16 = vector.broadcast %mul3A_15 : i32 to vector<16xi32>
    %add3A_17 = arith.addi %add3A_13, %add3A_16 : vector<16xi32>
    %broadcast_in_dim3A = arith.constant 1.000000e+00 : f32
    %broadcast_in_dim3A_18 = vector.broadcast %broadcast_in_dim3A : f32 to vector<16xf32>
    %broadcast_in_dim3A_19 = arith.constant 0.000000e+00 : f32
    %broadcast_in_dim3A_20 = vector.broadcast %broadcast_in_dim3A_19 : f32 to vector<16xf32>
    %scan3A = arith.constant 0 : i32
    %scan3A_21 = arith.constant 16 : i32
    %scan3A_22 = arith.addi %scan3A, %scan3A_21 : i32
    %scan3A_23 = arith.constant 1 : i32
    %scan3A_24 = scf.for %scan3A_77 = %scan3A to %scan3A_22 step %scan3A_23 iter_args(%scan3A_78 = %broadcast_in_dim3A_20) -> (vector<16xf32>)  : i32 {
      %mul3A_79 = arith.constant 4 : i32
      %mul3A_80 = arith.muli %scan3A_77, %mul3A_79 : i32
      %add3A_81 = arith.constant 0 : i32
      %add3A_82 = arith.addi %mul3A_80, %add3A_81 : i32
      %mul3A_83 = arith.constant 16 : i32
      %mul3A_84 = arith.muli %add3A_82, %mul3A_83 : i32
      %get3A = arith.index_cast %mul3A_84 : i32 to index
      %get3A_85 = tpu.vector_load %arg5[%get3A] {strides = array<i32>} : memref<2048xi32, #tpu.memory_space<vmem>>, vector<16xi32>,
      %get3A_86 = vector.shape_cast %get3A_85 : vector<16xi32> to vector<16xi32>
      %ne3A = arith.constant 255 : i32
      %ne3A_87 = vector.broadcast %ne3A : i32 to vector<16xi32>
      %ne3A_88 = arith.cmpi ne, %get3A_86, %ne3A_87 : vector<16xi32>
      %select_n3A = arith.select %ne3A_88, %broadcast_in_dim3A_18, %broadcast_in_dim3A_20 : vector<16xi1>, vector<16xf32>
      %add3A_89 = arith.addf %scan3A_78, %select_n3A : vector<16xf32>
      %jit3A = arith.constant 0 : i32
      %broadcast_in_dim3A_90 = vector.broadcast %jit3A : i32 to vector<16xi32>
      %select_n3A_91 = arith.select %ne3A_88, %get3A_86, %broadcast_in_dim3A_90 : vector<16xi1>, vector<16xi32>
      %shift_right_arithmetic3A_92 = arith.constant 7 : i32
      %shift_right_arithmetic3A_93 = vector.broadcast %shift_right_arithmetic3A_92 : i32 to vector<16xi32>
      %shift_right_arithmetic3A_94 = arith.shrsi %select_n3A_91, %shift_right_arithmetic3A_93 : vector<16xi32>
      %mul3A_95 = arith.constant 896 : i32
      %mul3A_96 = vector.broadcast %mul3A_95 : i32 to vector<16xi32>
      %mul3A_97 = arith.muli %shift_right_arithmetic3A_94, %mul3A_96 : vector<16xi32>
      %add3A_98 = arith.addi %select_n3A_91, %mul3A_97 : vector<16xi32>
      %mul3A_99 = arith.constant 8192 : i32
      %mul3A_100 = arith.muli %add3A_82, %mul3A_99 : i32
      %add3A_101 = vector.broadcast %mul3A_100 : i32 to vector<16xi32>
      %add3A_102 = arith.addi %add3A_17, %add3A_101 : vector<16xi32>
      %add3A_103 = arith.addi %add3A_98, %add3A_102 : vector<16xi32>
      %mul3A_104 = arith.constant 16 : i32
      %mul3A_105 = arith.muli %add3A_82, %mul3A_104 : i32
      %swap3A_106 = arith.index_cast %mul3A_105 : i32 to index
      %swap3A_107 = tpu.vector_load %arg6[%swap3A_106] {strides = array<i32>} : memref<2048xi32, #tpu.memory_space<vmem>>, vector<16xi32>,
      %swap3A_108 = vector.shape_cast %swap3A_107 : vector<16xi32> to vector<16xi32>
      %swap3A_109 = vector.shape_cast %add3A_103 : vector<16xi32> to vector<16xi32>
      tpu.vector_store %arg6[%swap3A_106], %swap3A_109 {strides = array<i32>} : memref<2048xi32, #tpu.memory_space<vmem>>, vector<16xi32>,
      %mul3A_110 = arith.constant 4 : i32
      %mul3A_111 = arith.muli %scan3A_77, %mul3A_110 : i32
      %add3A_112 = arith.constant 1 : i32
      %add3A_113 = arith.addi %mul3A_111, %add3A_112 : i32
      %mul3A_114 = arith.constant 16 : i32
      %mul3A_115 = arith.muli %add3A_113, %mul3A_114 : i32
      %get3A_116 = arith.index_cast %mul3A_115 : i32 to index
      %get3A_117 = tpu.vector_load %arg5[%get3A_116] {strides = array<i32>} : memref<2048xi32, #tpu.memory_space<vmem>>, vector<16xi32>,
      %get3A_118 = vector.shape_cast %get3A_117 : vector<16xi32> to vector<16xi32>
      %ne3A_119 = arith.constant 255 : i32
      %ne3A_120 = vector.broadcast %ne3A_119 : i32 to vector<16xi32>
      %ne3A_121 = arith.cmpi ne, %get3A_118, %ne3A_120 : vector<16xi32>
      %select_n3A_122 = arith.select %ne3A_121, %broadcast_in_dim3A_18, %broadcast_in_dim3A_20 : vector<16xi1>, vector<16xf32>
      %add3A_123 = arith.addf %add3A_89, %select_n3A_122 : vector<16xf32>
      %jit3A_124 = arith.constant 0 : i32
      %broadcast_in_dim3A_125 = vector.broadcast %jit3A_124 : i32 to vector<16xi32>
      %select_n3A_126 = arith.select %ne3A_121, %get3A_118, %broadcast_in_dim3A_125 : vector<16xi1>, vector<16xi32>
      %shift_right_arithmetic3A_127 = arith.constant 7 : i32
      %shift_right_arithmetic3A_128 = vector.broadcast %shift_right_arithmetic3A_127 : i32 to vector<16xi32>
      %shift_right_arithmetic3A_129 = arith.shrsi %select_n3A_126, %shift_right_arithmetic3A_128 : vector<16xi32>
      %mul3A_130 = arith.constant 896 : i32
      %mul3A_131 = vector.broadcast %mul3A_130 : i32 to vector<16xi32>
      %mul3A_132 = arith.muli %shift_right_arithmetic3A_129, %mul3A_131 : vector<16xi32>
      %add3A_133 = arith.addi %select_n3A_126, %mul3A_132 : vector<16xi32>
      %mul3A_134 = arith.constant 8192 : i32
      %mul3A_135 = arith.muli %add3A_113, %mul3A_134 : i32
      %add3A_136 = vector.broadcast %mul3A_135 : i32 to vector<16xi32>
      %add3A_137 = arith.addi %add3A_17, %add3A_136 : vector<16xi32>
      %add3A_138 = arith.addi %add3A_133, %add3A_137 : vector<16xi32>
      %mul3A_139 = arith.constant 16 : i32
      %mul3A_140 = arith.muli %add3A_113, %mul3A_139 : i32
      %swap3A_141 = arith.index_cast %mul3A_140 : i32 to index
      %swap3A_142 = tpu.vector_load %arg6[%swap3A_141] {strides = array<i32>} : memref<2048xi32, #tpu.memory_space<vmem>>, vector<16xi32>,
      %swap3A_143 = vector.shape_cast %swap3A_142 : vector<16xi32> to vector<16xi32>
      %swap3A_144 = vector.shape_cast %add3A_138 : vector<16xi32> to vector<16xi32>
      tpu.vector_store %arg6[%swap3A_141], %swap3A_144 {strides = array<i32>} : memref<2048xi32, #tpu.memory_space<vmem>>, vector<16xi32>,
      %mul3A_145 = arith.constant 4 : i32
      %mul3A_146 = arith.muli %scan3A_77, %mul3A_145 : i32
      %add3A_147 = arith.constant 2 : i32
      %add3A_148 = arith.addi %mul3A_146, %add3A_147 : i32
      %mul3A_149 = arith.constant 16 : i32
      %mul3A_150 = arith.muli %add3A_148, %mul3A_149 : i32
      %get3A_151 = arith.index_cast %mul3A_150 : i32 to index
      %get3A_152 = tpu.vector_load %arg5[%get3A_151] {strides = array<i32>} : memref<2048xi32, #tpu.memory_space<vmem>>, vector<16xi32>,
      %get3A_153 = vector.shape_cast %get3A_152 : vector<16xi32> to vector<16xi32>
      %ne3A_154 = arith.constant 255 : i32
      %ne3A_155 = vector.broadcast %ne3A_154 : i32 to vector<16xi32>
      %ne3A_156 = arith.cmpi ne, %get3A_153, %ne3A_155 : vector<16xi32>
      %select_n3A_157 = arith.select %ne3A_156, %broadcast_in_dim3A_18, %broadcast_in_dim3A_20 : vector<16xi1>, vector<16xf32>
      %add3A_158 = arith.addf %add3A_123, %select_n3A_157 : vector<16xf32>
      %jit3A_159 = arith.constant 0 : i32
      %broadcast_in_dim3A_160 = vector.broadcast %jit3A_159 : i32 to vector<16xi32>
      %select_n3A_161 = arith.select %ne3A_156, %get3A_153, %broadcast_in_dim3A_160 : vector<16xi1>, vector<16xi32>
      %shift_right_arithmetic3A_162 = arith.constant 7 : i32
      %shift_right_arithmetic3A_163 = vector.broadcast %shift_right_arithmetic3A_162 : i32 to vector<16xi32>
      %shift_right_arithmetic3A_164 = arith.shrsi %select_n3A_161, %shift_right_arithmetic3A_163 : vector<16xi32>
      %mul3A_165 = arith.constant 896 : i32
      %mul3A_166 = vector.broadcast %mul3A_165 : i32 to vector<16xi32>
      %mul3A_167 = arith.muli %shift_right_arithmetic3A_164, %mul3A_166 : vector<16xi32>
      %add3A_168 = arith.addi %select_n3A_161, %mul3A_167 : vector<16xi32>
      %mul3A_169 = arith.constant 8192 : i32
      %mul3A_170 = arith.muli %add3A_148, %mul3A_169 : i32
      %add3A_171 = vector.broadcast %mul3A_170 : i32 to vector<16xi32>
      %add3A_172 = arith.addi %add3A_17, %add3A_171 : vector<16xi32>
      %add3A_173 = arith.addi %add3A_168, %add3A_172 : vector<16xi32>
      %mul3A_174 = arith.constant 16 : i32
      %mul3A_175 = arith.muli %add3A_148, %mul3A_174 : i32
      %swap3A_176 = arith.index_cast %mul3A_175 : i32 to index
      %swap3A_177 = tpu.vector_load %arg6[%swap3A_176] {strides = array<i32>} : memref<2048xi32, #tpu.memory_space<vmem>>, vector<16xi32>,
      %swap3A_178 = vector.shape_cast %swap3A_177 : vector<16xi32> to vector<16xi32>
      %swap3A_179 = vector.shape_cast %add3A_173 : vector<16xi32> to vector<16xi32>
      tpu.vector_store %arg6[%swap3A_176], %swap3A_179 {strides = array<i32>} : memref<2048xi32, #tpu.memory_space<vmem>>, vector<16xi32>,
      %mul3A_180 = arith.constant 4 : i32
      %mul3A_181 = arith.muli %scan3A_77, %mul3A_180 : i32
      %add3A_182 = arith.constant 3 : i32
      %add3A_183 = arith.addi %mul3A_181, %add3A_182 : i32
      %mul3A_184 = arith.constant 16 : i32
      %mul3A_185 = arith.muli %add3A_183, %mul3A_184 : i32
      %get3A_186 = arith.index_cast %mul3A_185 : i32 to index
      %get3A_187 = tpu.vector_load %arg5[%get3A_186] {strides = array<i32>} : memref<2048xi32, #tpu.memory_space<vmem>>, vector<16xi32>,
      %get3A_188 = vector.shape_cast %get3A_187 : vector<16xi32> to vector<16xi32>
      %ne3A_189 = arith.constant 255 : i32
      %ne3A_190 = vector.broadcast %ne3A_189 : i32 to vector<16xi32>
      %ne3A_191 = arith.cmpi ne, %get3A_188, %ne3A_190 : vector<16xi32>
      %select_n3A_192 = arith.select %ne3A_191, %broadcast_in_dim3A_18, %broadcast_in_dim3A_20 : vector<16xi1>, vector<16xf32>
      %add3A_193 = arith.addf %add3A_158, %select_n3A_192 : vector<16xf32>
      %jit3A_194 = arith.constant 0 : i32
      %broadcast_in_dim3A_195 = vector.broadcast %jit3A_194 : i32 to vector<16xi32>
      %select_n3A_196 = arith.select %ne3A_191, %get3A_188, %broadcast_in_dim3A_195 : vector<16xi1>, vector<16xi32>
      %shift_right_arithmetic3A_197 = arith.constant 7 : i32
      %shift_right_arithmetic3A_198 = vector.broadcast %shift_right_arithmetic3A_197 : i32 to vector<16xi32>
      %shift_right_arithmetic3A_199 = arith.shrsi %select_n3A_196, %shift_right_arithmetic3A_198 : vector<16xi32>
      %mul3A_200 = arith.constant 896 : i32
      %mul3A_201 = vector.broadcast %mul3A_200 : i32 to vector<16xi32>
      %mul3A_202 = arith.muli %shift_right_arithmetic3A_199, %mul3A_201 : vector<16xi32>
      %add3A_203 = arith.addi %select_n3A_196, %mul3A_202 : vector<16xi32>
      %mul3A_204 = arith.constant 8192 : i32
      %mul3A_205 = arith.muli %add3A_183, %mul3A_204 : i32
      %add3A_206 = vector.broadcast %mul3A_205 : i32 to vector<16xi32>
      %add3A_207 = arith.addi %add3A_17, %add3A_206 : vector<16xi32>
      %add3A_208 = arith.addi %add3A_203, %add3A_207 : vector<16xi32>
      %mul3A_209 = arith.constant 16 : i32
      %mul3A_210 = arith.muli %add3A_183, %mul3A_209 : i32
      %swap3A_211 = arith.index_cast %mul3A_210 : i32 to index
      %swap3A_212 = tpu.vector_load %arg6[%swap3A_211] {strides = array<i32>} : memref<2048xi32, #tpu.memory_space<vmem>>, vector<16xi32>,
      %swap3A_213 = vector.shape_cast %swap3A_212 : vector<16xi32> to vector<16xi32>
      %swap3A_214 = vector.shape_cast %add3A_208 : vector<16xi32> to vector<16xi32>
      tpu.vector_store %arg6[%swap3A_211], %swap3A_214 {strides = array<i32>} : memref<2048xi32, #tpu.memory_space<vmem>>, vector<16xi32>,
      %jit3A_215 = arith.constant 2 : i32
      %eq3A = arith.constant 0 : i32
      %eq3A_216 = arith.cmpi eq, %jit3A_215, %eq3A : i32
      %jit3A_217 = arith.constant 1 : i32
      %select_n3A_218 = arith.select %eq3A_216, %jit3A_217, %jit3A_215 : i32
      %rem3A = arith.remsi %scan3A_77, %select_n3A_218 : i32
      %ne3A_219 = arith.constant 0 : i32
      %ne3A_220 = arith.cmpi ne, %rem3A, %ne3A_219 : i32
      %lt3A = arith.constant 0 : i32
      %lt3A_221 = arith.cmpi slt, %rem3A, %lt3A : i32
      %lt3A_222 = arith.constant 0 : i32
      %lt3A_223 = arith.cmpi slt, %select_n3A_218, %lt3A_222 : i32
      %ne3A_224 = arith.xori %lt3A_221, %lt3A_223 : i1
      %and3A_225 = arith.andi %ne3A_224, %ne3A_220 : i1
      %add3A_226 = arith.addi %rem3A, %select_n3A_218 : i32
      %select_n3A_227 = arith.select %and3A_225, %add3A_226, %rem3A : i32
      %eq3A_228 = arith.constant 1 : i32
      %eq3A_229 = arith.cmpi eq, %select_n3A_227, %eq3A_228 : i32
      %convert_element_type3A = arith.extui %eq3A_229 : i1 to i32
      %cond3A = arith.constant 0 : i32
      %cond3A_230 = arith.cmpi ne, %convert_element_type3A, %cond3A : i32
      scf.if %cond3A_230 {
        %sub3A = arith.constant 1 : i32
        %sub3A_231 = arith.subi %scan3A_77, %sub3A : i32
        %mul3A_232 = arith.constant 64 : i32
        %mul3A_233 = arith.muli %sub3A_231, %mul3A_232 : i32
        %dma_start3A = tpu.memref_slice %arg7[%mul3A_233] : memref<2048xf32, #tpu.memory_space<vmem>> -> memref<128xf32, #tpu.memory_space<vmem>>
        %dma_start3A_234 = tpu.memref_slice %arg6[%mul3A_233] : memref<2048xi32, #tpu.memory_space<vmem>> -> memref<128xi32, #tpu.memory_space<vmem>>
        %dma_start3A_235 = arith.constant 0 : i32
        %dma_start3A_236 = tpu.memref_slice %arg2[%dma_start3A_235] : memref<33554432xf32, #tpu.memory_space<hbm>> -> memref<33554432xf32, #tpu.memory_space<hbm>>
        tpu.enqueue_indirect_dma source(%dma_start3A_236 : memref<33554432xf32, #tpu.memory_space<hbm>>) target(%dma_start3A : memref<128xf32, #tpu.memory_space<vmem>>) offsets(%dma_start3A_234 : memref<128xi32, #tpu.memory_space<vmem>>) semaphore(%arg9 : memref<!tpu.dma_semaphore, #tpu.memory_space<semaphore_mem>>)
      } else {
      }
      scf.yield %add3A_193 : vector<16xf32>
    }
    %scan3A_25 = arith.constant 16 : i32
    %scan3A_26 = arith.constant 16 : i32
    %scan3A_27 = arith.constant 16 : i32
    %scan3A_28 = arith.addi %scan3A_26, %scan3A_27 : i32
    %scan3A_29 = arith.constant 1 : i32
    %scan3A_30 = scf.for %scan3A_77 = %scan3A_26 to %scan3A_28 step %scan3A_29 iter_args(%scan3A_78 = %scan3A_24) -> (vector<16xf32>)  : i32 {
      %mul3A_79 = arith.constant 4 : i32
      %mul3A_80 = arith.muli %scan3A_77, %mul3A_79 : i32
      %add3A_81 = arith.constant 0 : i32
      %add3A_82 = arith.addi %mul3A_80, %add3A_81 : i32
      %mul3A_83 = arith.constant 16 : i32
      %mul3A_84 = arith.muli %add3A_82, %mul3A_83 : i32
      %get3A = arith.index_cast %mul3A_84 : i32 to index
      %get3A_85 = tpu.vector_load %arg5[%get3A] {strides = array<i32>} : memref<2048xi32, #tpu.memory_space<vmem>>, vector<16xi32>,
      %get3A_86 = vector.shape_cast %get3A_85 : vector<16xi32> to vector<16xi32>
      %ne3A = arith.constant 255 : i32
      %ne3A_87 = vector.broadcast %ne3A : i32 to vector<16xi32>
      %ne3A_88 = arith.cmpi ne, %get3A_86, %ne3A_87 : vector<16xi32>
      %select_n3A = arith.select %ne3A_88, %broadcast_in_dim3A_18, %broadcast_in_dim3A_20 : vector<16xi1>, vector<16xf32>
      %add3A_89 = arith.addf %scan3A_78, %select_n3A : vector<16xf32>
      %jit3A = arith.constant 0 : i32
      %broadcast_in_dim3A_90 = vector.broadcast %jit3A : i32 to vector<16xi32>
      %select_n3A_91 = arith.select %ne3A_88, %get3A_86, %broadcast_in_dim3A_90 : vector<16xi1>, vector<16xi32>
      %shift_right_arithmetic3A_92 = arith.constant 7 : i32
      %shift_right_arithmetic3A_93 = vector.broadcast %shift_right_arithmetic3A_92 : i32 to vector<16xi32>
      %shift_right_arithmetic3A_94 = arith.shrsi %select_n3A_91, %shift_right_arithmetic3A_93 : vector<16xi32>
      %mul3A_95 = arith.constant 896 : i32
      %mul3A_96 = vector.broadcast %mul3A_95 : i32 to vector<16xi32>
      %mul3A_97 = arith.muli %shift_right_arithmetic3A_94, %mul3A_96 : vector<16xi32>
      %add3A_98 = arith.addi %select_n3A_91, %mul3A_97 : vector<16xi32>
      %mul3A_99 = arith.constant 8192 : i32
      %mul3A_100 = arith.muli %add3A_82, %mul3A_99 : i32
      %add3A_101 = vector.broadcast %mul3A_100 : i32 to vector<16xi32>
      %add3A_102 = arith.addi %add3A_17, %add3A_101 : vector<16xi32>
      %add3A_103 = arith.addi %add3A_98, %add3A_102 : vector<16xi32>
      %mul3A_104 = arith.constant 16 : i32
      %mul3A_105 = arith.muli %add3A_82, %mul3A_104 : i32
      %swap3A_106 = arith.index_cast %mul3A_105 : i32 to index
      %swap3A_107 = tpu.vector_load %arg6[%swap3A_106] {strides = array<i32>} : memref<2048xi32, #tpu.memory_space<vmem>>, vector<16xi32>,
      %swap3A_108 = vector.shape_cast %swap3A_107 : vector<16xi32> to vector<16xi32>
      %swap3A_109 = vector.shape_cast %add3A_103 : vector<16xi32> to vector<16xi32>
      tpu.vector_store %arg6[%swap3A_106], %swap3A_109 {strides = array<i32>} : memref<2048xi32, #tpu.memory_space<vmem>>, vector<16xi32>,
      %mul3A_110 = arith.constant 4 : i32
      %mul3A_111 = arith.muli %scan3A_77, %mul3A_110 : i32
      %add3A_112 = arith.constant 1 : i32
      %add3A_113 = arith.addi %mul3A_111, %add3A_112 : i32
      %mul3A_114 = arith.constant 16 : i32
      %mul3A_115 = arith.muli %add3A_113, %mul3A_114 : i32
      %get3A_116 = arith.index_cast %mul3A_115 : i32 to index
      %get3A_117 = tpu.vector_load %arg5[%get3A_116] {strides = array<i32>} : memref<2048xi32, #tpu.memory_space<vmem>>, vector<16xi32>,
      %get3A_118 = vector.shape_cast %get3A_117 : vector<16xi32> to vector<16xi32>
      %ne3A_119 = arith.constant 255 : i32
      %ne3A_120 = vector.broadcast %ne3A_119 : i32 to vector<16xi32>
      %ne3A_121 = arith.cmpi ne, %get3A_118, %ne3A_120 : vector<16xi32>
      %select_n3A_122 = arith.select %ne3A_121, %broadcast_in_dim3A_18, %broadcast_in_dim3A_20 : vector<16xi1>, vector<16xf32>
      %add3A_123 = arith.addf %add3A_89, %select_n3A_122 : vector<16xf32>
      %jit3A_124 = arith.constant 0 : i32
      %broadcast_in_dim3A_125 = vector.broadcast %jit3A_124 : i32 to vector<16xi32>
      %select_n3A_126 = arith.select %ne3A_121, %get3A_118, %broadcast_in_dim3A_125 : vector<16xi1>, vector<16xi32>
      %shift_right_arithmetic3A_127 = arith.constant 7 : i32
      %shift_right_arithmetic3A_128 = vector.broadcast %shift_right_arithmetic3A_127 : i32 to vector<16xi32>
      %shift_right_arithmetic3A_129 = arith.shrsi %select_n3A_126, %shift_right_arithmetic3A_128 : vector<16xi32>
      %mul3A_130 = arith.constant 896 : i32
      %mul3A_131 = vector.broadcast %mul3A_130 : i32 to vector<16xi32>
      %mul3A_132 = arith.muli %shift_right_arithmetic3A_129, %mul3A_131 : vector<16xi32>
      %add3A_133 = arith.addi %select_n3A_126, %mul3A_132 : vector<16xi32>
      %mul3A_134 = arith.constant 8192 : i32
      %mul3A_135 = arith.muli %add3A_113, %mul3A_134 : i32
      %add3A_136 = vector.broadcast %mul3A_135 : i32 to vector<16xi32>
      %add3A_137 = arith.addi %add3A_17, %add3A_136 : vector<16xi32>
      %add3A_138 = arith.addi %add3A_133, %add3A_137 : vector<16xi32>
      %mul3A_139 = arith.constant 16 : i32
      %mul3A_140 = arith.muli %add3A_113, %mul3A_139 : i32
      %swap3A_141 = arith.index_cast %mul3A_140 : i32 to index
      %swap3A_142 = tpu.vector_load %arg6[%swap3A_141] {strides = array<i32>} : memref<2048xi32, #tpu.memory_space<vmem>>, vector<16xi32>,
      %swap3A_143 = vector.shape_cast %swap3A_142 : vector<16xi32> to vector<16xi32>
      %swap3A_144 = vector.shape_cast %add3A_138 : vector<16xi32> to vector<16xi32>
      tpu.vector_store %arg6[%swap3A_141], %swap3A_144 {strides = array<i32>} : memref<2048xi32, #tpu.memory_space<vmem>>, vector<16xi32>,
      %mul3A_145 = arith.constant 4 : i32
      %mul3A_146 = arith.muli %scan3A_77, %mul3A_145 : i32
      %add3A_147 = arith.constant 2 : i32
      %add3A_148 = arith.addi %mul3A_146, %add3A_147 : i32
      %mul3A_149 = arith.constant 16 : i32
      %mul3A_150 = arith.muli %add3A_148, %mul3A_149 : i32
      %get3A_151 = arith.index_cast %mul3A_150 : i32 to index
      %get3A_152 = tpu.vector_load %arg5[%get3A_151] {strides = array<i32>} : memref<2048xi32, #tpu.memory_space<vmem>>, vector<16xi32>,
      %get3A_153 = vector.shape_cast %get3A_152 : vector<16xi32> to vector<16xi32>
      %ne3A_154 = arith.constant 255 : i32
      %ne3A_155 = vector.broadcast %ne3A_154 : i32 to vector<16xi32>
      %ne3A_156 = arith.cmpi ne, %get3A_153, %ne3A_155 : vector<16xi32>
      %select_n3A_157 = arith.select %ne3A_156, %broadcast_in_dim3A_18, %broadcast_in_dim3A_20 : vector<16xi1>, vector<16xf32>
      %add3A_158 = arith.addf %add3A_123, %select_n3A_157 : vector<16xf32>
      %jit3A_159 = arith.constant 0 : i32
      %broadcast_in_dim3A_160 = vector.broadcast %jit3A_159 : i32 to vector<16xi32>
      %select_n3A_161 = arith.select %ne3A_156, %get3A_153, %broadcast_in_dim3A_160 : vector<16xi1>, vector<16xi32>
      %shift_right_arithmetic3A_162 = arith.constant 7 : i32
      %shift_right_arithmetic3A_163 = vector.broadcast %shift_right_arithmetic3A_162 : i32 to vector<16xi32>
      %shift_right_arithmetic3A_164 = arith.shrsi %select_n3A_161, %shift_right_arithmetic3A_163 : vector<16xi32>
      %mul3A_165 = arith.constant 896 : i32
      %mul3A_166 = vector.broadcast %mul3A_165 : i32 to vector<16xi32>
      %mul3A_167 = arith.muli %shift_right_arithmetic3A_164, %mul3A_166 : vector<16xi32>
      %add3A_168 = arith.addi %select_n3A_161, %mul3A_167 : vector<16xi32>
      %mul3A_169 = arith.constant 8192 : i32
      %mul3A_170 = arith.muli %add3A_148, %mul3A_169 : i32
      %add3A_171 = vector.broadcast %mul3A_170 : i32 to vector<16xi32>
      %add3A_172 = arith.addi %add3A_17, %add3A_171 : vector<16xi32>
      %add3A_173 = arith.addi %add3A_168, %add3A_172 : vector<16xi32>
      %mul3A_174 = arith.constant 16 : i32
      %mul3A_175 = arith.muli %add3A_148, %mul3A_174 : i32
      %swap3A_176 = arith.index_cast %mul3A_175 : i32 to index
      %swap3A_177 = tpu.vector_load %arg6[%swap3A_176] {strides = array<i32>} : memref<2048xi32, #tpu.memory_space<vmem>>, vector<16xi32>,
      %swap3A_178 = vector.shape_cast %swap3A_177 : vector<16xi32> to vector<16xi32>
      %swap3A_179 = vector.shape_cast %add3A_173 : vector<16xi32> to vector<16xi32>
      tpu.vector_store %arg6[%swap3A_176], %swap3A_179 {strides = array<i32>} : memref<2048xi32, #tpu.memory_space<vmem>>, vector<16xi32>,
      %mul3A_180 = arith.constant 4 : i32
      %mul3A_181 = arith.muli %scan3A_77, %mul3A_180 : i32
      %add3A_182 = arith.constant 3 : i32
      %add3A_183 = arith.addi %mul3A_181, %add3A_182 : i32
      %mul3A_184 = arith.constant 16 : i32
      %mul3A_185 = arith.muli %add3A_183, %mul3A_184 : i32
      %get3A_186 = arith.index_cast %mul3A_185 : i32 to index
      %get3A_187 = tpu.vector_load %arg5[%get3A_186] {strides = array<i32>} : memref<2048xi32, #tpu.memory_space<vmem>>, vector<16xi32>,
      %get3A_188 = vector.shape_cast %get3A_187 : vector<16xi32> to vector<16xi32>
      %ne3A_189 = arith.constant 255 : i32
      %ne3A_190 = vector.broadcast %ne3A_189 : i32 to vector<16xi32>
      %ne3A_191 = arith.cmpi ne, %get3A_188, %ne3A_190 : vector<16xi32>
      %select_n3A_192 = arith.select %ne3A_191, %broadcast_in_dim3A_18, %broadcast_in_dim3A_20 : vector<16xi1>, vector<16xf32>
      %add3A_193 = arith.addf %add3A_158, %select_n3A_192 : vector<16xf32>
      %jit3A_194 = arith.constant 0 : i32
      %broadcast_in_dim3A_195 = vector.broadcast %jit3A_194 : i32 to vector<16xi32>
      %select_n3A_196 = arith.select %ne3A_191, %get3A_188, %broadcast_in_dim3A_195 : vector<16xi1>, vector<16xi32>
      %shift_right_arithmetic3A_197 = arith.constant 7 : i32
      %shift_right_arithmetic3A_198 = vector.broadcast %shift_right_arithmetic3A_197 : i32 to vector<16xi32>
      %shift_right_arithmetic3A_199 = arith.shrsi %select_n3A_196, %shift_right_arithmetic3A_198 : vector<16xi32>
      %mul3A_200 = arith.constant 896 : i32
      %mul3A_201 = vector.broadcast %mul3A_200 : i32 to vector<16xi32>
      %mul3A_202 = arith.muli %shift_right_arithmetic3A_199, %mul3A_201 : vector<16xi32>
      %add3A_203 = arith.addi %select_n3A_196, %mul3A_202 : vector<16xi32>
      %mul3A_204 = arith.constant 8192 : i32
      %mul3A_205 = arith.muli %add3A_183, %mul3A_204 : i32
      %add3A_206 = vector.broadcast %mul3A_205 : i32 to vector<16xi32>
      %add3A_207 = arith.addi %add3A_17, %add3A_206 : vector<16xi32>
      %add3A_208 = arith.addi %add3A_203, %add3A_207 : vector<16xi32>
      %mul3A_209 = arith.constant 16 : i32
      %mul3A_210 = arith.muli %add3A_183, %mul3A_209 : i32
      %swap3A_211 = arith.index_cast %mul3A_210 : i32 to index
      %swap3A_212 = tpu.vector_load %arg6[%swap3A_211] {strides = array<i32>} : memref<2048xi32, #tpu.memory_space<vmem>>, vector<16xi32>,
      %swap3A_213 = vector.shape_cast %swap3A_212 : vector<16xi32> to vector<16xi32>
      %swap3A_214 = vector.shape_cast %add3A_208 : vector<16xi32> to vector<16xi32>
      tpu.vector_store %arg6[%swap3A_211], %swap3A_214 {strides = array<i32>} : memref<2048xi32, #tpu.memory_space<vmem>>, vector<16xi32>,
      %jit3A_215 = arith.constant 2 : i32
      %eq3A = arith.constant 0 : i32
      %eq3A_216 = arith.cmpi eq, %jit3A_215, %eq3A : i32
      %jit3A_217 = arith.constant 1 : i32
      %select_n3A_218 = arith.select %eq3A_216, %jit3A_217, %jit3A_215 : i32
      %rem3A = arith.remsi %scan3A_77, %select_n3A_218 : i32
      %ne3A_219 = arith.constant 0 : i32
      %ne3A_220 = arith.cmpi ne, %rem3A, %ne3A_219 : i32
      %lt3A = arith.constant 0 : i32
      %lt3A_221 = arith.cmpi slt, %rem3A, %lt3A : i32
      %lt3A_222 = arith.constant 0 : i32
      %lt3A_223 = arith.cmpi slt, %select_n3A_218, %lt3A_222 : i32
      %ne3A_224 = arith.xori %lt3A_221, %lt3A_223 : i1
      %and3A_225 = arith.andi %ne3A_224, %ne3A_220 : i1
      %add3A_226 = arith.addi %rem3A, %select_n3A_218 : i32
      %select_n3A_227 = arith.select %and3A_225, %add3A_226, %rem3A : i32
      %eq3A_228 = arith.constant 1 : i32
      %eq3A_229 = arith.cmpi eq, %select_n3A_227, %eq3A_228 : i32
      %convert_element_type3A = arith.extui %eq3A_229 : i1 to i32
      %cond3A = arith.constant 0 : i32
      %cond3A_230 = arith.cmpi ne, %convert_element_type3A, %cond3A : i32
      scf.if %cond3A_230 {
        %sub3A = arith.constant 1 : i32
        %sub3A_231 = arith.subi %scan3A_77, %sub3A : i32
        %mul3A_232 = arith.constant 64 : i32
        %mul3A_233 = arith.muli %sub3A_231, %mul3A_232 : i32
        %dma_start3A = tpu.memref_slice %arg7[%mul3A_233] : memref<2048xf32, #tpu.memory_space<vmem>> -> memref<128xf32, #tpu.memory_space<vmem>>
        %dma_start3A_234 = tpu.memref_slice %arg6[%mul3A_233] : memref<2048xi32, #tpu.memory_space<vmem>> -> memref<128xi32, #tpu.memory_space<vmem>>
        %dma_start3A_235 = arith.constant 0 : i32
        %dma_start3A_236 = tpu.memref_slice %arg2[%dma_start3A_235] : memref<33554432xf32, #tpu.memory_space<hbm>> -> memref<33554432xf32, #tpu.memory_space<hbm>>
        tpu.enqueue_indirect_dma source(%dma_start3A_236 : memref<33554432xf32, #tpu.memory_space<hbm>>) target(%dma_start3A : memref<128xf32, #tpu.memory_space<vmem>>) offsets(%dma_start3A_234 : memref<128xi32, #tpu.memory_space<vmem>>) semaphore(%arg10 : memref<!tpu.dma_semaphore, #tpu.memory_space<semaphore_mem>>)
      } else {
      }
      scf.yield %add3A_193 : vector<16xf32>
    }
    %scan3A_31 = arith.constant 16 : i32
    %dma_wait3A = arith.constant 0 : i32
    %dma_wait3A_32 = tpu.memref_slice %arg7[%dma_wait3A] : memref<2048xf32, #tpu.memory_space<vmem>> -> memref<1024xf32, #tpu.memory_space<vmem>>
    %dma_wait3A_33 = arith.constant 0 : i32
    %dma_wait3A_34 = tpu.memref_slice %arg2[%dma_wait3A_33] : memref<33554432xf32, #tpu.memory_space<hbm>> -> memref<1024xf32, #tpu.memory_space<hbm>>
    %dma_wait3A_35 = arith.constant 0 : i32
    %dma_wait3A_36 = tpu.memref_slice %arg7[%dma_wait3A_35] : memref<2048xf32, #tpu.memory_space<vmem>> -> memref<1024xf32, #tpu.memory_space<vmem>>
    %dma_wait3A_37 = arith.constant 0 : i32
    %dma_wait3A_38 = tpu.memref_slice %arg2[%dma_wait3A_37] : memref<33554432xf32, #tpu.memory_space<hbm>> -> memref<1024xf32, #tpu.memory_space<hbm>>
    tpu.wait_dma2 semaphore(%arg9 : memref<!tpu.dma_semaphore, #tpu.memory_space<semaphore_mem>>) src(%dma_wait3A_38 : memref<1024xf32, #tpu.memory_space<hbm>>) dst(%dma_wait3A_36 : memref<1024xf32, #tpu.memory_space<vmem>>)
    %scan3A_39 = arith.constant 0 : i32
    %scan3A_40 = arith.constant 16 : i32
    %scan3A_41 = arith.addi %scan3A_39, %scan3A_40 : i32
    %scan3A_42 = arith.constant 1 : i32
    %scan3A_43 = scf.for %scan3A_77 = %scan3A_39 to %scan3A_41 step %scan3A_42 iter_args(%scan3A_78 = %broadcast_in_dim3A_20) -> (vector<16xf32>)  : i32 {
      %mul3A_79 = arith.constant 4 : i32
      %mul3A_80 = arith.muli %scan3A_77, %mul3A_79 : i32
      %add3A_81 = arith.constant 0 : i32
      %add3A_82 = arith.addi %mul3A_80, %add3A_81 : i32
      %mul3A_83 = arith.constant 16 : i32
      %mul3A_84 = arith.muli %add3A_82, %mul3A_83 : i32
      %get3A = arith.index_cast %mul3A_84 : i32 to index
      %get3A_85 = tpu.vector_load %arg7[%get3A] {strides = array<i32>} : memref<2048xf32, #tpu.memory_space<vmem>>, vector<16xf32>,
      %get3A_86 = vector.shape_cast %get3A_85 : vector<16xf32> to vector<16xf32>
      %mul3A_87 = arith.constant 16 : i32
      %mul3A_88 = arith.muli %add3A_82, %mul3A_87 : i32
      %get3A_89 = arith.index_cast %mul3A_88 : i32 to index
      %get3A_90 = tpu.vector_load %arg5[%get3A_89] {strides = array<i32>} : memref<2048xi32, #tpu.memory_space<vmem>>, vector<16xi32>,
      %get3A_91 = vector.shape_cast %get3A_90 : vector<16xi32> to vector<16xi32>
      %sub3A = arith.constant 1.000000e+00 : f32
      %sub3A_92 = vector.broadcast %sub3A : f32 to vector<16xf32>
      %sub3A_93 = arith.subf %sub3A_92, %get3A_86 : vector<16xf32>
      %ne3A = arith.constant 255 : i32
      %ne3A_94 = vector.broadcast %ne3A : i32 to vector<16xi32>
      %ne3A_95 = arith.cmpi ne, %get3A_91, %ne3A_94 : vector<16xi32>
      %mul3A_96 = arith.mulf %sub3A_93, %sub3A_93 : vector<16xf32>
      %select_n3A = arith.select %ne3A_95, %mul3A_96, %broadcast_in_dim3A_20 : vector<16xi1>, vector<16xf32>
      %add3A_97 = arith.addf %scan3A_78, %select_n3A : vector<16xf32>
      %mul3A_98 = arith.constant 4 : i32
      %mul3A_99 = arith.muli %scan3A_77, %mul3A_98 : i32
      %add3A_100 = arith.constant 1 : i32
      %add3A_101 = arith.addi %mul3A_99, %add3A_100 : i32
      %mul3A_102 = arith.constant 16 : i32
      %mul3A_103 = arith.muli %add3A_101, %mul3A_102 : i32
      %get3A_104 = arith.index_cast %mul3A_103 : i32 to index
      %get3A_105 = tpu.vector_load %arg7[%get3A_104] {strides = array<i32>} : memref<2048xf32, #tpu.memory_space<vmem>>, vector<16xf32>,
      %get3A_106 = vector.shape_cast %get3A_105 : vector<16xf32> to vector<16xf32>
      %mul3A_107 = arith.constant 16 : i32
      %mul3A_108 = arith.muli %add3A_101, %mul3A_107 : i32
      %get3A_109 = arith.index_cast %mul3A_108 : i32 to index
      %get3A_110 = tpu.vector_load %arg5[%get3A_109] {strides = array<i32>} : memref<2048xi32, #tpu.memory_space<vmem>>, vector<16xi32>,
      %get3A_111 = vector.shape_cast %get3A_110 : vector<16xi32> to vector<16xi32>
      %sub3A_112 = arith.constant 1.000000e+00 : f32
      %sub3A_113 = vector.broadcast %sub3A_112 : f32 to vector<16xf32>
      %sub3A_114 = arith.subf %sub3A_113, %get3A_106 : vector<16xf32>
      %ne3A_115 = arith.constant 255 : i32
      %ne3A_116 = vector.broadcast %ne3A_115 : i32 to vector<16xi32>
      %ne3A_117 = arith.cmpi ne, %get3A_111, %ne3A_116 : vector<16xi32>
      %mul3A_118 = arith.mulf %sub3A_114, %sub3A_114 : vector<16xf32>
      %select_n3A_119 = arith.select %ne3A_117, %mul3A_118, %broadcast_in_dim3A_20 : vector<16xi1>, vector<16xf32>
      %add3A_120 = arith.addf %add3A_97, %select_n3A_119 : vector<16xf32>
      %mul3A_121 = arith.constant 4 : i32
      %mul3A_122 = arith.muli %scan3A_77, %mul3A_121 : i32
      %add3A_123 = arith.constant 2 : i32
      %add3A_124 = arith.addi %mul3A_122, %add3A_123 : i32
      %mul3A_125 = arith.constant 16 : i32
      %mul3A_126 = arith.muli %add3A_124, %mul3A_125 : i32
      %get3A_127 = arith.index_cast %mul3A_126 : i32 to index
      %get3A_128 = tpu.vector_load %arg7[%get3A_127] {strides = array<i32>} : memref<2048xf32, #tpu.memory_space<vmem>>, vector<16xf32>,
      %get3A_129 = vector.shape_cast %get3A_128 : vector<16xf32> to vector<16xf32>
      %mul3A_130 = arith.constant 16 : i32
      %mul3A_131 = arith.muli %add3A_124, %mul3A_130 : i32
      %get3A_132 = arith.index_cast %mul3A_131 : i32 to index
      %get3A_133 = tpu.vector_load %arg5[%get3A_132] {strides = array<i32>} : memref<2048xi32, #tpu.memory_space<vmem>>, vector<16xi32>,
      %get3A_134 = vector.shape_cast %get3A_133 : vector<16xi32> to vector<16xi32>
      %sub3A_135 = arith.constant 1.000000e+00 : f32
      %sub3A_136 = vector.broadcast %sub3A_135 : f32 to vector<16xf32>
      %sub3A_137 = arith.subf %sub3A_136, %get3A_129 : vector<16xf32>
      %ne3A_138 = arith.constant 255 : i32
      %ne3A_139 = vector.broadcast %ne3A_138 : i32 to vector<16xi32>
      %ne3A_140 = arith.cmpi ne, %get3A_134, %ne3A_139 : vector<16xi32>
      %mul3A_141 = arith.mulf %sub3A_137, %sub3A_137 : vector<16xf32>
      %select_n3A_142 = arith.select %ne3A_140, %mul3A_141, %broadcast_in_dim3A_20 : vector<16xi1>, vector<16xf32>
      %add3A_143 = arith.addf %add3A_120, %select_n3A_142 : vector<16xf32>
      %mul3A_144 = arith.constant 4 : i32
      %mul3A_145 = arith.muli %scan3A_77, %mul3A_144 : i32
      %add3A_146 = arith.constant 3 : i32
      %add3A_147 = arith.addi %mul3A_145, %add3A_146 : i32
      %mul3A_148 = arith.constant 16 : i32
      %mul3A_149 = arith.muli %add3A_147, %mul3A_148 : i32
      %get3A_150 = arith.index_cast %mul3A_149 : i32 to index
      %get3A_151 = tpu.vector_load %arg7[%get3A_150] {strides = array<i32>} : memref<2048xf32, #tpu.memory_space<vmem>>, vector<16xf32>,
      %get3A_152 = vector.shape_cast %get3A_151 : vector<16xf32> to vector<16xf32>
      %mul3A_153 = arith.constant 16 : i32
      %mul3A_154 = arith.muli %add3A_147, %mul3A_153 : i32
      %get3A_155 = arith.index_cast %mul3A_154 : i32 to index
      %get3A_156 = tpu.vector_load %arg5[%get3A_155] {strides = array<i32>} : memref<2048xi32, #tpu.memory_space<vmem>>, vector<16xi32>,
      %get3A_157 = vector.shape_cast %get3A_156 : vector<16xi32> to vector<16xi32>
      %sub3A_158 = arith.constant 1.000000e+00 : f32
      %sub3A_159 = vector.broadcast %sub3A_158 : f32 to vector<16xf32>
      %sub3A_160 = arith.subf %sub3A_159, %get3A_152 : vector<16xf32>
      %ne3A_161 = arith.constant 255 : i32
      %ne3A_162 = vector.broadcast %ne3A_161 : i32 to vector<16xi32>
      %ne3A_163 = arith.cmpi ne, %get3A_157, %ne3A_162 : vector<16xi32>
      %mul3A_164 = arith.mulf %sub3A_160, %sub3A_160 : vector<16xf32>
      %select_n3A_165 = arith.select %ne3A_163, %mul3A_164, %broadcast_in_dim3A_20 : vector<16xi1>, vector<16xf32>
      %add3A_166 = arith.addf %add3A_143, %select_n3A_165 : vector<16xf32>
      scf.yield %add3A_166 : vector<16xf32>
    }
    %scan3A_44 = arith.constant 16 : i32
    %dma_wait3A_45 = arith.constant 1024 : i32
    %dma_wait3A_46 = tpu.memref_slice %arg7[%dma_wait3A_45] : memref<2048xf32, #tpu.memory_space<vmem>> -> memref<1024xf32, #tpu.memory_space<vmem>>
    %dma_wait3A_47 = arith.constant 0 : i32
    %dma_wait3A_48 = tpu.memref_slice %arg2[%dma_wait3A_47] : memref<33554432xf32, #tpu.memory_space<hbm>> -> memref<1024xf32, #tpu.memory_space<hbm>>
    %dma_wait3A_49 = arith.constant 1024 : i32
    %dma_wait3A_50 = tpu.memref_slice %arg7[%dma_wait3A_49] : memref<2048xf32, #tpu.memory_space<vmem>> -> memref<1024xf32, #tpu.memory_space<vmem>>
    %dma_wait3A_51 = arith.constant 0 : i32
    %dma_wait3A_52 = tpu.memref_slice %arg2[%dma_wait3A_51] : memref<33554432xf32, #tpu.memory_space<hbm>> -> memref<1024xf32, #tpu.memory_space<hbm>>
    tpu.wait_dma2 semaphore(%arg10 : memref<!tpu.dma_semaphore, #tpu.memory_space<semaphore_mem>>) src(%dma_wait3A_52 : memref<1024xf32, #tpu.memory_space<hbm>>) dst(%dma_wait3A_50 : memref<1024xf32, #tpu.memory_space<vmem>>)
    %scan3A_53 = arith.constant 16 : i32
    %scan3A_54 = arith.constant 16 : i32
    %scan3A_55 = arith.addi %scan3A_53, %scan3A_54 : i32
    %scan3A_56 = arith.constant 1 : i32
    %scan3A_57 = scf.for %scan3A_77 = %scan3A_53 to %scan3A_55 step %scan3A_56 iter_args(%scan3A_78 = %scan3A_43) -> (vector<16xf32>)  : i32 {
      %mul3A_79 = arith.constant 4 : i32
      %mul3A_80 = arith.muli %scan3A_77, %mul3A_79 : i32
      %add3A_81 = arith.constant 0 : i32
      %add3A_82 = arith.addi %mul3A_80, %add3A_81 : i32
      %mul3A_83 = arith.constant 16 : i32
      %mul3A_84 = arith.muli %add3A_82, %mul3A_83 : i32
      %get3A = arith.index_cast %mul3A_84 : i32 to index
      %get3A_85 = tpu.vector_load %arg7[%get3A] {strides = array<i32>} : memref<2048xf32, #tpu.memory_space<vmem>>, vector<16xf32>,
      %get3A_86 = vector.shape_cast %get3A_85 : vector<16xf32> to vector<16xf32>
      %mul3A_87 = arith.constant 16 : i32
      %mul3A_88 = arith.muli %add3A_82, %mul3A_87 : i32
      %get3A_89 = arith.index_cast %mul3A_88 : i32 to index
      %get3A_90 = tpu.vector_load %arg5[%get3A_89] {strides = array<i32>} : memref<2048xi32, #tpu.memory_space<vmem>>, vector<16xi32>,
      %get3A_91 = vector.shape_cast %get3A_90 : vector<16xi32> to vector<16xi32>
      %sub3A = arith.constant 1.000000e+00 : f32
      %sub3A_92 = vector.broadcast %sub3A : f32 to vector<16xf32>
      %sub3A_93 = arith.subf %sub3A_92, %get3A_86 : vector<16xf32>
      %ne3A = arith.constant 255 : i32
      %ne3A_94 = vector.broadcast %ne3A : i32 to vector<16xi32>
      %ne3A_95 = arith.cmpi ne, %get3A_91, %ne3A_94 : vector<16xi32>
      %mul3A_96 = arith.mulf %sub3A_93, %sub3A_93 : vector<16xf32>
      %select_n3A = arith.select %ne3A_95, %mul3A_96, %broadcast_in_dim3A_20 : vector<16xi1>, vector<16xf32>
      %add3A_97 = arith.addf %scan3A_78, %select_n3A : vector<16xf32>
      %mul3A_98 = arith.constant 4 : i32
      %mul3A_99 = arith.muli %scan3A_77, %mul3A_98 : i32
      %add3A_100 = arith.constant 1 : i32
      %add3A_101 = arith.addi %mul3A_99, %add3A_100 : i32
      %mul3A_102 = arith.constant 16 : i32
      %mul3A_103 = arith.muli %add3A_101, %mul3A_102 : i32
      %get3A_104 = arith.index_cast %mul3A_103 : i32 to index
      %get3A_105 = tpu.vector_load %arg7[%get3A_104] {strides = array<i32>} : memref<2048xf32, #tpu.memory_space<vmem>>, vector<16xf32>,
      %get3A_106 = vector.shape_cast %get3A_105 : vector<16xf32> to vector<16xf32>
      %mul3A_107 = arith.constant 16 : i32
      %mul3A_108 = arith.muli %add3A_101, %mul3A_107 : i32
      %get3A_109 = arith.index_cast %mul3A_108 : i32 to index
      %get3A_110 = tpu.vector_load %arg5[%get3A_109] {strides = array<i32>} : memref<2048xi32, #tpu.memory_space<vmem>>, vector<16xi32>,
      %get3A_111 = vector.shape_cast %get3A_110 : vector<16xi32> to vector<16xi32>
      %sub3A_112 = arith.constant 1.000000e+00 : f32
      %sub3A_113 = vector.broadcast %sub3A_112 : f32 to vector<16xf32>
      %sub3A_114 = arith.subf %sub3A_113, %get3A_106 : vector<16xf32>
      %ne3A_115 = arith.constant 255 : i32
      %ne3A_116 = vector.broadcast %ne3A_115 : i32 to vector<16xi32>
      %ne3A_117 = arith.cmpi ne, %get3A_111, %ne3A_116 : vector<16xi32>
      %mul3A_118 = arith.mulf %sub3A_114, %sub3A_114 : vector<16xf32>
      %select_n3A_119 = arith.select %ne3A_117, %mul3A_118, %broadcast_in_dim3A_20 : vector<16xi1>, vector<16xf32>
      %add3A_120 = arith.addf %add3A_97, %select_n3A_119 : vector<16xf32>
      %mul3A_121 = arith.constant 4 : i32
      %mul3A_122 = arith.muli %scan3A_77, %mul3A_121 : i32
      %add3A_123 = arith.constant 2 : i32
      %add3A_124 = arith.addi %mul3A_122, %add3A_123 : i32
      %mul3A_125 = arith.constant 16 : i32
      %mul3A_126 = arith.muli %add3A_124, %mul3A_125 : i32
      %get3A_127 = arith.index_cast %mul3A_126 : i32 to index
      %get3A_128 = tpu.vector_load %arg7[%get3A_127] {strides = array<i32>} : memref<2048xf32, #tpu.memory_space<vmem>>, vector<16xf32>,
      %get3A_129 = vector.shape_cast %get3A_128 : vector<16xf32> to vector<16xf32>
      %mul3A_130 = arith.constant 16 : i32
      %mul3A_131 = arith.muli %add3A_124, %mul3A_130 : i32
      %get3A_132 = arith.index_cast %mul3A_131 : i32 to index
      %get3A_133 = tpu.vector_load %arg5[%get3A_132] {strides = array<i32>} : memref<2048xi32, #tpu.memory_space<vmem>>, vector<16xi32>,
      %get3A_134 = vector.shape_cast %get3A_133 : vector<16xi32> to vector<16xi32>
      %sub3A_135 = arith.constant 1.000000e+00 : f32
      %sub3A_136 = vector.broadcast %sub3A_135 : f32 to vector<16xf32>
      %sub3A_137 = arith.subf %sub3A_136, %get3A_129 : vector<16xf32>
      %ne3A_138 = arith.constant 255 : i32
      %ne3A_139 = vector.broadcast %ne3A_138 : i32 to vector<16xi32>
      %ne3A_140 = arith.cmpi ne, %get3A_134, %ne3A_139 : vector<16xi32>
      %mul3A_141 = arith.mulf %sub3A_137, %sub3A_137 : vector<16xf32>
      %select_n3A_142 = arith.select %ne3A_140, %mul3A_141, %broadcast_in_dim3A_20 : vector<16xi1>, vector<16xf32>
      %add3A_143 = arith.addf %add3A_120, %select_n3A_142 : vector<16xf32>
      %mul3A_144 = arith.constant 4 : i32
      %mul3A_145 = arith.muli %scan3A_77, %mul3A_144 : i32
      %add3A_146 = arith.constant 3 : i32
      %add3A_147 = arith.addi %mul3A_145, %add3A_146 : i32
      %mul3A_148 = arith.constant 16 : i32
      %mul3A_149 = arith.muli %add3A_147, %mul3A_148 : i32
      %get3A_150 = arith.index_cast %mul3A_149 : i32 to index
      %get3A_151 = tpu.vector_load %arg7[%get3A_150] {strides = array<i32>} : memref<2048xf32, #tpu.memory_space<vmem>>, vector<16xf32>,
      %get3A_152 = vector.shape_cast %get3A_151 : vector<16xf32> to vector<16xf32>
      %mul3A_153 = arith.constant 16 : i32
      %mul3A_154 = arith.muli %add3A_147, %mul3A_153 : i32
      %get3A_155 = arith.index_cast %mul3A_154 : i32 to index
      %get3A_156 = tpu.vector_load %arg5[%get3A_155] {strides = array<i32>} : memref<2048xi32, #tpu.memory_space<vmem>>, vector<16xi32>,
      %get3A_157 = vector.shape_cast %get3A_156 : vector<16xi32> to vector<16xi32>
      %sub3A_158 = arith.constant 1.000000e+00 : f32
      %sub3A_159 = vector.broadcast %sub3A_158 : f32 to vector<16xf32>
      %sub3A_160 = arith.subf %sub3A_159, %get3A_152 : vector<16xf32>
      %ne3A_161 = arith.constant 255 : i32
      %ne3A_162 = vector.broadcast %ne3A_161 : i32 to vector<16xi32>
      %ne3A_163 = arith.cmpi ne, %get3A_157, %ne3A_162 : vector<16xi32>
      %mul3A_164 = arith.mulf %sub3A_160, %sub3A_160 : vector<16xf32>
      %select_n3A_165 = arith.select %ne3A_163, %mul3A_164, %broadcast_in_dim3A_20 : vector<16xi1>, vector<16xf32>
      %add3A_166 = arith.addf %add3A_143, %select_n3A_165 : vector<16xf32>
      scf.yield %add3A_166 : vector<16xf32>
    }
    %scan3A_58 = arith.constant 16 : i32
    %swap3A = arith.constant 0 : i32
    %swap3A_59 = arith.index_cast %swap3A : i32 to index
    %swap3A_60 = arith.constant 0 : index
    %swap3A_61 = tpu.vector_load %arg8[%swap3A_59, %swap3A_60] {strides = array<i32>} : memref<2x16xf32, #tpu.memory_space<vmem>>, vector<1x16xf32>,
    %swap3A_62 = vector.shape_cast %swap3A_61 : vector<1x16xf32> to vector<16xf32>
    %swap3A_63 = vector.shape_cast %scan3A_57 : vector<16xf32> to vector<1x16xf32>
    tpu.vector_store %arg8[%swap3A_59, %swap3A_60], %swap3A_63 {strides = array<i32>} : memref<2x16xf32, #tpu.memory_space<vmem>>, vector<1x16xf32>,
    %swap3A_64 = arith.constant 1 : i32
    %swap3A_65 = arith.index_cast %swap3A_64 : i32 to index
    %swap3A_66 = arith.constant 0 : index
    %swap3A_67 = tpu.vector_load %arg8[%swap3A_65, %swap3A_66] {strides = array<i32>} : memref<2x16xf32, #tpu.memory_space<vmem>>, vector<1x16xf32>,
    %swap3A_68 = vector.shape_cast %swap3A_67 : vector<1x16xf32> to vector<16xf32>
    %swap3A_69 = vector.shape_cast %scan3A_30 : vector<16xf32> to vector<1x16xf32>
    tpu.vector_store %arg8[%swap3A_65, %swap3A_66], %swap3A_69 {strides = array<i32>} : memref<2x16xf32, #tpu.memory_space<vmem>>, vector<1x16xf32>,
    %mul3A_70 = arith.constant 16 : i32
    %mul3A_71 = arith.muli %add3A, %mul3A_70 : i32
    %run_scoped3A = arith.constant 0 : i32
    %run_scoped3A_72 = arith.constant 0 : i32
    "tpu.region"() ({
      %run_scoped3A_77 = tpu.sem_alloc : memref<!tpu.dma_semaphore, #tpu.memory_space<semaphore_mem>>
      %dma_start3A = arith.constant 0 : i32
      %dma_start3A_78 = tpu.memref_slice %arg8[%run_scoped3A, %dma_start3A] : memref<2x16xf32, #tpu.memory_space<vmem>> -> memref<1x16xf32, #tpu.memory_space<vmem>>
      %dma_start3A_79 = tpu.memref_squeeze %dma_start3A_78 : memref<1x16xf32, #tpu.memory_space<vmem>> -> memref<16xf32, #tpu.memory_space<vmem>>
      %dma_start3A_80 = tpu.memref_slice %arg4[%run_scoped3A_72, %mul3A_71] : memref<2x512xf32, #tpu.memory_space<hbm>> -> memref<1x16xf32, #tpu.memory_space<hbm>>
      %dma_start3A_81 = tpu.memref_squeeze %dma_start3A_80 : memref<1x16xf32, #tpu.memory_space<hbm>> -> memref<16xf32, #tpu.memory_space<hbm>>
      %dma_start3A_82 = tpu.memref_slice %arg4[%run_scoped3A_72, %mul3A_71] : memref<2x512xf32, #tpu.memory_space<hbm>> -> memref<1x16xf32, #tpu.memory_space<hbm>>
      %dma_start3A_83 = tpu.memref_squeeze %dma_start3A_82 : memref<1x16xf32, #tpu.memory_space<hbm>> -> memref<16xf32, #tpu.memory_space<hbm>>
      %dma_start3A_84 = arith.constant 0 : i32
      %dma_start3A_85 = tpu.memref_slice %arg8[%run_scoped3A, %dma_start3A_84] : memref<2x16xf32, #tpu.memory_space<vmem>> -> memref<1x16xf32, #tpu.memory_space<vmem>>
      %dma_start3A_86 = tpu.memref_squeeze %dma_start3A_85 : memref<1x16xf32, #tpu.memory_space<vmem>> -> memref<16xf32, #tpu.memory_space<vmem>>
      tpu.enqueue_dma source(%dma_start3A_86 : memref<16xf32, #tpu.memory_space<vmem>>) target(%dma_start3A_83 : memref<16xf32, #tpu.memory_space<hbm>>) target_semaphore(%run_scoped3A_77 : memref<!tpu.dma_semaphore, #tpu.memory_space<semaphore_mem>>)
      %dma_wait3A_87 = arith.constant 0 : i32
      %dma_wait3A_88 = tpu.memref_slice %arg8[%run_scoped3A, %dma_wait3A_87] : memref<2x16xf32, #tpu.memory_space<vmem>> -> memref<1x16xf32, #tpu.memory_space<vmem>>
      %dma_wait3A_89 = tpu.memref_squeeze %dma_wait3A_88 : memref<1x16xf32, #tpu.memory_space<vmem>> -> memref<16xf32, #tpu.memory_space<vmem>>
      %dma_wait3A_90 = tpu.memref_slice %arg4[%run_scoped3A_72, %mul3A_71] : memref<2x512xf32, #tpu.memory_space<hbm>> -> memref<1x16xf32, #tpu.memory_space<hbm>>
      %dma_wait3A_91 = tpu.memref_squeeze %dma_wait3A_90 : memref<1x16xf32, #tpu.memory_space<hbm>> -> memref<16xf32, #tpu.memory_space<hbm>>
      %dma_wait3A_92 = tpu.memref_slice %arg4[%run_scoped3A_72, %mul3A_71] : memref<2x512xf32, #tpu.memory_space<hbm>> -> memref<1x16xf32, #tpu.memory_space<hbm>>
      %dma_wait3A_93 = tpu.memref_squeeze %dma_wait3A_92 : memref<1x16xf32, #tpu.memory_space<hbm>> -> memref<16xf32, #tpu.memory_space<hbm>>
      %dma_wait3A_94 = arith.constant 0 : i32
      %dma_wait3A_95 = tpu.memref_slice %arg8[%run_scoped3A, %dma_wait3A_94] : memref<2x16xf32, #tpu.memory_space<vmem>> -> memref<1x16xf32, #tpu.memory_space<vmem>>
      %dma_wait3A_96 = tpu.memref_squeeze %dma_wait3A_95 : memref<1x16xf32, #tpu.memory_space<vmem>> -> memref<16xf32, #tpu.memory_space<vmem>>
      tpu.wait_dma2 semaphore(%run_scoped3A_77 : memref<!tpu.dma_semaphore, #tpu.memory_space<semaphore_mem>>) src(%dma_wait3A_96 : memref<16xf32, #tpu.memory_space<vmem>>) dst(%dma_wait3A_93 : memref<16xf32, #tpu.memory_space<hbm>>)
      tpu.yield
    }) : () -> ()
    %mul3A_73 = arith.constant 16 : i32
    %mul3A_74 = arith.muli %add3A, %mul3A_73 : i32
    %run_scoped3A_75 = arith.constant 1 : i32
    %run_scoped3A_76 = arith.constant 1 : i32
    "tpu.region"() ({
      %run_scoped3A_77 = tpu.sem_alloc : memref<!tpu.dma_semaphore, #tpu.memory_space<semaphore_mem>>
      %dma_start3A = arith.constant 0 : i32
      %dma_start3A_78 = tpu.memref_slice %arg8[%run_scoped3A_75, %dma_start3A] : memref<2x16xf32, #tpu.memory_space<vmem>> -> memref<1x16xf32, #tpu.memory_space<vmem>>
      %dma_start3A_79 = tpu.memref_squeeze %dma_start3A_78 : memref<1x16xf32, #tpu.memory_space<vmem>> -> memref<16xf32, #tpu.memory_space<vmem>>
      %dma_start3A_80 = tpu.memref_slice %arg4[%run_scoped3A_76, %mul3A_74] : memref<2x512xf32, #tpu.memory_space<hbm>> -> memref<1x16xf32, #tpu.memory_space<hbm>>
      %dma_start3A_81 = tpu.memref_squeeze %dma_start3A_80 : memref<1x16xf32, #tpu.memory_space<hbm>> -> memref<16xf32, #tpu.memory_space<hbm>>
      %dma_start3A_82 = tpu.memref_slice %arg4[%run_scoped3A_76, %mul3A_74] : memref<2x512xf32, #tpu.memory_space<hbm>> -> memref<1x16xf32, #tpu.memory_space<hbm>>
      %dma_start3A_83 = tpu.memref_squeeze %dma_start3A_82 : memref<1x16xf32, #tpu.memory_space<hbm>> -> memref<16xf32, #tpu.memory_space<hbm>>
      %dma_start3A_84 = arith.constant 0 : i32
      %dma_start3A_85 = tpu.memref_slice %arg8[%run_scoped3A_75, %dma_start3A_84] : memref<2x16xf32, #tpu.memory_space<vmem>> -> memref<1x16xf32, #tpu.memory_space<vmem>>
      %dma_start3A_86 = tpu.memref_squeeze %dma_start3A_85 : memref<1x16xf32, #tpu.memory_space<vmem>> -> memref<16xf32, #tpu.memory_space<vmem>>
      tpu.enqueue_dma source(%dma_start3A_86 : memref<16xf32, #tpu.memory_space<vmem>>) target(%dma_start3A_83 : memref<16xf32, #tpu.memory_space<hbm>>) target_semaphore(%run_scoped3A_77 : memref<!tpu.dma_semaphore, #tpu.memory_space<semaphore_mem>>)
      %dma_wait3A_87 = arith.constant 0 : i32
      %dma_wait3A_88 = tpu.memref_slice %arg8[%run_scoped3A_75, %dma_wait3A_87] : memref<2x16xf32, #tpu.memory_space<vmem>> -> memref<1x16xf32, #tpu.memory_space<vmem>>
      %dma_wait3A_89 = tpu.memref_squeeze %dma_wait3A_88 : memref<1x16xf32, #tpu.memory_space<vmem>> -> memref<16xf32, #tpu.memory_space<vmem>>
      %dma_wait3A_90 = tpu.memref_slice %arg4[%run_scoped3A_76, %mul3A_74] : memref<2x512xf32, #tpu.memory_space<hbm>> -> memref<1x16xf32, #tpu.memory_space<hbm>>
      %dma_wait3A_91 = tpu.memref_squeeze %dma_wait3A_90 : memref<1x16xf32, #tpu.memory_space<hbm>> -> memref<16xf32, #tpu.memory_space<hbm>>
      %dma_wait3A_92 = tpu.memref_slice %arg4[%run_scoped3A_76, %mul3A_74] : memref<2x512xf32, #tpu.memory_space<hbm>> -> memref<1x16xf32, #tpu.memory_space<hbm>>
      %dma_wait3A_93 = tpu.memref_squeeze %dma_wait3A_92 : memref<1x16xf32, #tpu.memory_space<hbm>> -> memref<16xf32, #tpu.memory_space<hbm>>
      %dma_wait3A_94 = arith.constant 0 : i32
      %dma_wait3A_95 = tpu.memref_slice %arg8[%run_scoped3A_75, %dma_wait3A_94] : memref<2x16xf32, #tpu.memory_space<vmem>> -> memref<1x16xf32, #tpu.memory_space<vmem>>
      %dma_wait3A_96 = tpu.memref_squeeze %dma_wait3A_95 : memref<1x16xf32, #tpu.memory_space<vmem>> -> memref<16xf32, #tpu.memory_space<vmem>>
      tpu.wait_dma2 semaphore(%run_scoped3A_77 : memref<!tpu.dma_semaphore, #tpu.memory_space<semaphore_mem>>) src(%dma_wait3A_96 : memref<16xf32, #tpu.memory_space<vmem>>) dst(%dma_wait3A_93 : memref<16xf32, #tpu.memory_space<hbm>>)
      tpu.yield
    }) : () -> ()
    return
  }
}

</mosaic_0001>

<sc_bundles>
// kernel: kernel.3.cloned.1.call-start
scs
__scs_entry_jumppad:
0x0: {  	(pc) =	sbr.rel $0x88, $3  }
0x1: {  	(tag) =	ssettag $0x0;
	lr =	simm.s32 $0x1  }
0x2: {  	[smem:$0x3F9F] =	sst lr;
	_ =	strace $0xD0000000  }
0x3: {  	_ = 	snop  }
0x4: {  	_ = 	snop  }
0x5: {  	_ = 	snop  }
0x6: {  	_ = 	snop  }
0x7: {  	_ = 	snop  }
__scs_overlays_trampoline_lowered:
0x8: {  	[smem:$0x3FAE] =	sst s0  }
0x9: {  	[smem:$0x3FAF] =	sst s1  }
0xa: {  	[smem:$0x3FB0] =	sst s2  }
0xb: {  	[smem:$0x3FB1] =	sst s3  }
0xc: {  	[smem:$0x3FB2] =	sst s4  }
0xd: {  	[smem:$0x3FB3] =	sst s5  }
0xe: {  	[smem:$0x3FB4] =	sst s6  }
0xf: {  	[smem:$0x3FB5] =	sst s7  }
0x10: {  	[smem:$0x3FB6] =	sst s8  }
0x11: {  	[smem:$0x3FB7] =	sst s9;
	s0 =	simm.s32 @!p0 $0x0  }
0x12: {  	s1 =	sld [smem:$0x3F9D];
	s0 =	simm.s32 @p0 $0x1  }
0x13: {  	[smem:$0x3FB8] =	sst s0;
	s0 =	simm.s32 @!p1 $0x0  }
0x14: {  	s2 =	sld [smem:$0x3F9C];
	s0 =	simm.s32 @p1 $0x1  }
0x15: {  	[smem:$0x3FB9] =	sst s0;
	s0 =	simm.s32 @!p2 $0x0  }
0x16: {  	s3 =	sld [smem:$0x3FDB];
	s0 =	simm.s32 @p2 $0x1  }
0x17: {  	s4 =	simm.s32 $0x1BF5;
	[smem:$0x3FBB] =	sst s0  }
0x18: {  	s0 =	sld [smem:$0x3F9E];
	_ =	swait.ge [sflag:s4], $0x0  }
0x19: {  	s7 =	sld [smem:$0x3F9F]  }
0x1a: {  	s8 =	sadd.s32 $0xFFFFE003, lr  }
0x1b: {  	s9 =	sadd.s32 $0xFFFFFEF7, lr;
	s5 =	simm.s32 $0xFFFFFFFF;
	p2 =	slt.u32 s8, $0xFFFFF086  }
0x1c: {  	p1 =	slt.u32 s9, $0xF7A;
	s5 =	simm.s32 @!p2 $0x0  }
0x1d: {  	s5 =	simm.s32 @p1 $0x1;
	p0 =	seq.s32 s7, s2  }
0x1e: {  	s7 =	smul.u32 @!p0 $0xF7A, s2;
	p2 =	seq.s32 @!p0 s5, $0x0  }
0x1f: {  	s9 =	smul.u32 $0xF7A, s1;
	s8 =	simm.s32 @!p0 $0x1BF5;
	p2 =	por !p2, p0  }
0x20: {  	[sflag:s8] =	ssyncset.s32 @!p0 $0xFFFFF086;
	s6 =	sadd.s32 @!p0 s3, s7;
	s7 =	simm.s32 @!p0 $0x108  }
0x21: {  	s3 =	sadd.s32 s3, s9;
	s6 =	sadd.s32 @!p0 $0x88, s6;
	s7 =	simm.s32 @p2 $0x1082  }
0x22: {  	[simem:s7], [sflag:s8] =	dma.local @!p0 [hbm:s6], $0xF7A  }
0x23: {  	s9 =	sor.u32 $0xD0000000, s2;
	s6 =	simm.s32 $0x108;
	_ =	swait.ge @!p0 [sflag:s8], $0x0  }
0x24: {  	s3 =	sadd.s32 $0x88, s3;
	s6 =	simm.s32 @!p1 $0x1082;
	[sflag:s4] =	ssyncset.s32 $0xFFFFF086  }
0x25: {  	[simem:s6], [sflag:s4] =	dma.local [hbm:s3], $0xF7A  }
0x26: {  	[smem:$0x3F9F] =	sst s1;
	(tag) =	ssettag s2;
	_ =	strace s9  }
0x27: {  	s1 =	sld [smem:$0x3FAF]  }
0x28: {  	s2 =	sld [smem:$0x3FB0]  }
0x29: {  	s4 =	sld [smem:$0x3FB2]  }
0x2a: {  	p0 =	seq.s32 s5, $0x0;
	s5 =	sld [smem:$0x3FB3]  }
0x2b: {  	s6 =	sld [smem:$0x3FB4]  }
0x2c: {  	s7 =	sld [smem:$0x3FB5]  }
0x2d: {  	s3 =	simm.s32 $0x108;
	s8 =	sld [smem:$0x3FB6]  }
0x2e: {  	s3 =	simm.s32 @!p0 $0x1082;
	s9 =	sld [smem:$0x3FB7]  }
0x2f: {  	lr =	sadd.s32 s0, s3;
	s0 =	sld [smem:$0x3FAE]  }
0x30: {  	s3 =	sld [smem:$0x3FB1]  }
0x31: {  	[smem:$0x3FBA] =	sst s10  }
0x32: {  	s10 =	sld [smem:$0x3FB8];
	_ =	sdelay $0x3  }
0x33: {  	p0 =	seq.s32 s10, $0x1;
	s10 =	sld [smem:$0x3FBA];
	_ =	sdelay $0x3  }
0x34: {  	[smem:$0x3FBA] =	sst s10  }
0x35: {  	s10 =	sld [smem:$0x3FB9];
	_ =	sdelay $0x3  }
0x36: {  	p1 =	seq.s32 s10, $0x1;
	s10 =	sld [smem:$0x3FBA];
	_ =	sdelay $0x3  }
0x37: {  	[smem:$0x3FBA] =	sst s10  }
0x38: {  	s10 =	sld [smem:$0x3FBB]  }
0x39: {  	_ = 	snop;
	(pc) =	sbr.ind lr, $3  }
0x3a: {  	_ = 	snop  }
0x3b: {  	_ = 	snop  }
0x3c: {  	p2 =	seq.s32 s10, $0x1;
	s10 =	sld [smem:$0x3FBA]  }
0x3d: {  	_ =	shalt  }
0x3e: {  	_ =	shalt  }
0x3f: {  	_ =	shalt  }
0x40: {  	_ =	shalt  }
0x41: {  	_ =	shalt  }
0x42: {  	_ =	shalt  }
0x43: {  	_ =	shalt  }
0x44: {  	_ =	shalt  }
0x45: {  	_ =	shalt  }
0x46: {  	_ =	shalt  }
0x47: {  	_ =	shalt  }
0x48: {  	_ =	shalt  }
0x49: {  	_ =	shalt  }
0x4a: {  	_ =	shalt  }
0x4b: {  	_ =	shalt  }
0x4c: {  	_ =	shalt  }
0x4d: {  	_ =	shalt  }
0x4e: {  	_ =	shalt  }
0x4f: {  	_ =	shalt  }
0x50: {  	_ =	shalt  }
0x51: {  	_ =	shalt  }
0x52: {  	_ =	shalt  }
0x53: {  	_ =	shalt  }
0x54: {  	_ =	shalt  }
0x55: {  	_ =	shalt  }
0x56: {  	_ =	shalt  }
0x57: {  	_ =	shalt  }
0x58: {  	_ =	shalt  }
0x59: {  	_ =	shalt  }
0x5a: {  	_ =	shalt  }
0x5b: {  	_ =	shalt  }
0x5c: {  	_ =	shalt  }
0x5d: {  	_ =	shalt  }
0x5e: {  	_ =	shalt  }
0x5f: {  	_ =	shalt  }
0x60: {  	_ =	shalt  }
0x61: {  	_ =	shalt  }
0x62: {  	_ =	shalt  }
0x63: {  	_ =	shalt  }
0x64: {  	_ =	shalt  }
0x65: {  	_ =	shalt  }
0x66: {  	_ =	shalt  }
0x67: {  	_ =	shalt  }
0x68: {  	_ =	shalt  }
0x69: {  	_ =	shalt  }
0x6a: {  	_ =	shalt  }
0x6b: {  	_ =	shalt  }
0x6c: {  	_ =	shalt  }
0x6d: {  	_ =	shalt  }
0x6e: {  	_ =	shalt  }
0x6f: {  	_ =	shalt  }
0x70: {  	_ =	shalt  }
0x71: {  	_ =	shalt  }
0x72: {  	_ =	shalt  }
0x73: {  	_ =	shalt  }
0x74: {  	_ =	shalt  }
0x75: {  	_ =	shalt  }
0x76: {  	_ =	shalt  }
0x77: {  	_ =	shalt  }
0x78: {  	_ =	shalt  }
0x79: {  	_ =	shalt  }
0x7a: {  	_ =	shalt  }
0x7b: {  	_ =	shalt  }
0x7c: {  	_ =	shalt  }
0x7d: {  	_ =	shalt  }
0x7e: {  	_ =	shalt  }
0x7f: {  	_ =	shalt  }
0x80: {  	_ =	shalt  }
0x81: {  	_ =	shalt  }
0x82: {  	_ =	shalt  }
0x83: {  	_ =	shalt  }
0x84: {  	_ =	shalt  }
0x85: {  	_ =	shalt  }
0x86: {  	_ =	shalt  }
0x87: {  	_ =	shalt  }
.Lfunc_end0:
.L_simem_size_0:
called_computation_lowered:
.L_overlay_start_0:
0x88: {  	s2 =	sld [smem:$0x3FD9]  }
0x89: {  	s3 =	sld [smem:$0x3FFE];
	_ =	sdelay $0x1  }
0x8a: {  	s1 =	srdreg.scid  }
0x8b: {  	s0 =	sand.u32 $0x1, s1  }
0x8c: {  	s17 =	sshll.u32 s0, $0xA;
	s2 =	sadd.s32 s3, s2  }
0x8d: {  	s2 =	sadd.s32 s2, s17  }
0x8e: {  	[smem:$0x3FC6] =	sst s2  }
0x8f: {  	_ = 	snop  }
0x90: {  	s2 =	sld [smem:$0x3FC9]  }
0x91: {  	s18 =	sld [smem:$0x3FC8];
	(tm) =	ssettm $0x1  }
0x92: {  	s4 =	sld [smem:$0x3FFB];
	_ =	sdelay $0x3  }
0x93: {  	_ =	strace s4  }
0x94: {  	s4 =	sld [smem:$0x3FFC];
	_ =	sdelay $0x3  }
0x95: {  	_ =	strace s4  }
0x96: {  	s4 =	sld [smem:$0x3FFD];
	_ =	sdelay $0x3  }
0x97: {  	_ =	strace s4  }
0x98: {  	_ =	strace $0x8FFFFFFF  }
0x99: {  	s19 =	sld [smem:$0x3FDB];
	_ =	sdelay $0x1  }
0x9a: {  	s5 =	simm.s32 $_scs_section_size  }
0x9b: {  	s6 =	simm.s32 $_size__tile_overlayer_lowered;
	s7 =	simm.s32 $_tile_overlayer_lowered  }
0x9c: {  	s22 =	simm.s32 $0x1BFF;
	s21 =	sshll.u32 s7, $0x1;
	s4 =	sadd.s32 s5, s19  }
0x9d: {  	s8 =	simm.s32 $0x0;
	s20 =	sshll.u32 s6, $0x1;
	s6 =	sadd.s32 s21, s4  }
0x9e: {  	[timem:s8], [sflag:s22] =	dma.local [hbm:s6], s20  }
0x9f: {  	_ =	swait.ge [sflag:s22], s20  }
0xa0: {  	s5 =	ssub.s32 $0x0, s20;
	[sflag:s22] =	ssyncset.done $0x0  }
0xa1: {  	[sflag:s22] =	ssyncadd.s32 s5;
	_ =	sdelay $0x1  }
0xa2: {  	s23 =	simm.s32 $0x1B8B  }
0xa3: {  	_ =	swait.ge [sflag:s23], $0x1  }
0xa4: {  	[sflag:s23] =	ssyncset.done $0x0  }
0xa5: {  	s25 =	simm.s32 $0x1B8E;
	s24 =	sld [smem:$0x3FFE];
	[sflag:s23] =	ssyncadd.s32 $0xFFFFFFFF  }
0xa6: {  	s26 =	simm.s32 $execute0_lowered;
	[smem:$0x3FD2] =	sst s25  }
0xa7: {  	s6 =	sshll.u32 s26, $0x1;
	_ =	strace $0x80000046;
	[dreg:$0x1] =	wrdreg $0xFFFFFFFF  }
0xa8: {  	s28 =	simm.s32 $_size_execute0_lowered;
	s4 =	sadd.s32 s4, s6;
	[dreg:$0x0] =	wrdreg $0x0  }
0xa9: {  	s6 =	sshll.u32 s28, $0x1;
	[dreg:$0x2] =	wrdreg s4  }
0xaa: {  	[dreg:$0x3] =	wrdreg s6  }
0xab: {  	[dreg:$0x4] =	wrdreg $0xC0  }
0xac: {  	_ =	task [dreg:s8], $0x5FFFF  }
0xad: {  	[dreg:$0x1] =	wrdreg $0xFFFFFFFF  }
0xae: {  	[dreg:$0x0] =	wrdreg $0x60  }
0xaf: {  	[dreg:$0x2] =	wrdreg s2  }
0xb0: {  	[dreg:$0x3] =	wrdreg s18  }
0xb1: {  	[dreg:$0x4] =	wrdreg s24  }
0xb2: {  	[dreg:$0x5] =	wrdreg $0x9  }
0xb3: {  	_ =	task.clear_ibuf [dreg:s8], $0x6FFFF;
	_ =	strace $0x90000046  }
0xb4: {  	s29 =	simm.s32 $0x9;
	_ =	strace $0x80000048  }
0xb5: {  	_ =	swait.ge [sflag:s29], $0x1  }
0xb6: {  	[sflag:s29] =	ssyncadd.s32 $0xFFFFFFFF  }
0xb7: {  	_ =	strace $0x90000048  }
0xb8: {  	_ =	sfence  }
0xb9: {  	s30 =	sld [smem:$0x0];
	_ =	sdelay $0x2  }
0xba: {  	s31 =	sshll.u32 s1, $0xD;
	s1 =	sshrl.u32 s1, $0x2  }
0xbb: {  	s3 =	sand.u32 $0x4000, s31;
	s1 =	sadd.s32 s1, s30  }
0xbc: {  	s0 =	sor.u32 s3, s0;
	s1 =	sshll.u32 s1, $0x11  }
0xbd: {  	s0 =	sor.u32 s1, s0  }
0xbe: {  	s0 =	sadd.s32 $0x8F2B, s0  }
0xbf: {  	[sflag:s0] =	ssyncadd.remote.s32 $0x1  }
0xc0: {  	_ =	sfence.sel $0xFFFF  }
0xc1: {  	[dreg:$0x0] =	wrdreg $0xFFFFFFFF;
	(pc) =	sbr.abs _section_cstart, $3  }
0xc2: {  	[dreg:$0x1] =	wrdreg $0xFFFFFFFF  }
0xc3: {  	_ =	task.clear_ibuf [dreg:s8], $0x2FFFF;
	_ =	strace $0x9FFFFFFF  }
0xc4: {  	(tm) =	ssettm $0x7FFFFFFF  }
0xc5: {  	_ =	shalt  }
tec
execute0_lowered:
.L_overlay_start_1:
0x0: {  	(tag) =	ssettag $0x1  }
0x1: {  	v0 =	vimm.s32 $0x1380;
	vm0 =	vcmask $0x300  }
0x2: {  	vm14 =	vcmask $0x704;
	v0 =	vsel vm0, $0x0, v0  }
0x3: {  	vm15 =	vcmask $0xB08;
	v0 =	vsel vm14, $0x80, v0  }
0x4: {  	vm4 =	vcmask $0xF0C;
	v0 =	vsel vm15, $0x100, v0  }
0x5: {  	s0 =	rddreg [dreg:$0x0];
	vm5 =	vcmask $0x1310;
	v0 =	vsel vm4, $0x180, v0  }
0x6: {  	s4 =	rddreg [dreg:$0x1];
	vm6 =	vcmask $0x1714;
	v0 =	vsel vm5, $0x200, v0  }
0x7: {  	s5 =	rddreg [dreg:$0x2];
	vm7 =	vcmask $0x1B18;
	v0 =	vsel vm6, $0x280, v0  }
0x8: {  	s1 =	rddreg [dreg:$0x3];
	s6 =	srdreg.scid;
	vm8 =	vcmask $0x1F1C;
	v0 =	vsel vm7, $0x300, v0  }
0x9: {  	s2 =	stileid.u32;
	s3 =	simm.s32 $0x0;
	vm9 =	vcmask $0x2320;
	s12 =	simm.s32 $0x1880;
	v0 =	vsel vm8, $0x380, v0  }
0xa: {  	vm10 =	vcmask $0x2724;
	s13 =	simm.s32 $0x0;
	s6 =	sand.u32 $0x1, s6;
	s7 =	sshll.u32 s2, $0x1;
	v0 =	vsel vm9, $0x1000, v0  }
0xb: {  	vm11 =	vcmask $0x2B28;
	[smem:$0x7FF] =	sst s3;
	s8 =	sshll.u32 s2, $0x3;
	s7 =	sor.u32 s6, s7;
	v0 =	vsel vm10, $0x1080, v0  }
0xc: {  	vm12 =	vcmask $0x2F2C;
	_ =	strace $0x80000047;
	s6 =	ssub.s32 $0x2, s6;
	s8 =	sand.u32 $0x60, s8;
	v0 =	vsel vm11, $0x1100, v0  }
0xd: {  	vm13 =	vcmask $0x3330;
	s9 =	sshll.u32 s7, $0x1;
	s10 =	sshrl.u32 s6, $0x1;
	s11 =	sshll.u32 s7, $0x8;
	v0 =	vsel vm12, $0x1180, v0  }
0xe: {  	vm14 =	vcmask $0x3734;
	s31 =	sshll.u32 s7, $0x14;
	s9 =	sand.u32 $0xE, s9;
	s30 =	ssub.s32 s6, s10;
	v0 =	vsel vm13, $0x1200, v0  }
0xf: {  	vm15 =	vcmask $0x3B38;
	s4 =	sadd.s32 s4, s11;
	s10 =	simm.s32 $0x2;
	s8 =	sor.u32 s8, s9;
	v0 =	vsel vm14, $0x1280, v0  }
0x10: {  	s11 =	simm.s32 $0x1800;
	s7 =	smax.u32 s30, $0x1;
	s5 =	sadd.s32 s5, s8;
	v0 =	vsel vm15, $0x1300, v0  }
0x11: {  	v1 =	vimm.f32 $1.000000000e+00;
	s9 =	simm.s32 $0x1;
	s8 =	simm.s32 $0x3;
	s6 =	sadd.s32 $0x10, s5;
	v0 =	vor.u32 s31, v0  }
.LBB2_1:
0x12: {  	[tilespmem:s3], [sflag:$0x3] =	stream.linear.gather [hbm4b:s4+s3], $0x800, $0x38;
	[tilespmem:$0x1900] =	vst v63  }
0x13: {  	_ =	swait.ge [sflag:s8], $0x800  }
0x14: {  	[sflag:s8] =	ssyncset.done $0x0  }
0x15: {  	s15 =	simm.s32 $0x20;
	[sflag:s8] =	ssyncadd.s32 $0xFFFFF800  }
0x16: {  	v2 =	vld [tilespmem:s15+$0xFFFFFFE0];
	_ =	sdelay $0x4  }
0x17: {  	vm0 =	veq.s32 v2, $0xFF  }
0x18: {  	v2 =	vsel vm0, $0x0, v2  }
0x19: {  	s14 =	simm.s32 $0x0;
	v3 =	vshrl.u32 v2, $0x7  }
0x1a: {  	v4 =	vadd.s32 s14, v0;
	v3 =	vmul.u32 $0x380, v3  }
0x1b: {  	v2 =	vadd.s32 v2, v4  }
0x1c: {  	s14 =	simm.s32 $0x7C0;
	v2 =	vadd.s32 v3, v2  }
0x1d: {  	[tilespmem:s14+$0x40] =	vst v2  }
0x1e: {  	v2 =	vld [tilespmem:s15+$0xFFFFFFF0];
	_ =	sdelay $0x4  }
0x1f: {  	vm1 =	veq.s32 v2, $0xFF  }
0x20: {  	v2 =	vsel vm1, $0x0, v2  }
0x21: {  	s16 =	simm.s32 $0x2000;
	v3 =	vshrl.u32 v2, $0x7  }
0x22: {  	v58 =	vadd.s32 s16, v0;
	v3 =	vmul.u32 $0x380, v3  }
0x23: {  	v2 =	vadd.s32 v2, v58  }
0x24: {  	v2 =	vadd.s32 v3, v2  }
0x25: {  	[tilespmem:s14+$0x50] =	vst v2  }
0x26: {  	v2 =	vld [tilespmem:s15+$0x0];
	_ =	sdelay $0x4  }
0x27: {  	vm2 =	veq.s32 v2, $0xFF  }
0x28: {  	v2 =	vsel vm2, $0x0, v2  }
0x29: {  	s30 =	simm.s32 $0x4000;
	v3 =	vshrl.u32 v2, $0x7  }
0x2a: {  	v59 =	vadd.s32 s30, v0;
	v3 =	vmul.u32 $0x380, v3  }
0x2b: {  	v2 =	vadd.s32 v2, v59  }
0x2c: {  	v2 =	vadd.s32 v3, v2  }
0x2d: {  	[tilespmem:s14+$0x60] =	vst v2  }
0x2e: {  	v2 =	vld [tilespmem:s15+$0x10];
	_ =	sdelay $0x3  }
0x2f: {  	v60 =	vsel vm0, $0x0, v1;
	v3 =	vimm.f32 $0.0e+00  }
0x30: {  	v3 =	vadd.f32 v60, v3;
	vm15 =	veq.s32 v2, $0xFF  }
0x31: {  	v61 =	vsel vm1, $0x0, v1;
	v2 =	vsel vm15, $0x0, v2  }
0x32: {  	s31 =	simm.s32 $0x6000;
	v3 =	vadd.f32 v61, v3;
	v62 =	vshrl.u32 v2, $0x7  }
0x33: {  	v6 =	vadd.s32 s31, v0;
	v5 =	vsel vm2, $0x0, v1;
	v4 =	vmul.u32 $0x380, v62  }
0x34: {  	s17 =	sand.u32 $0x1, s3;
	s18 =	simm.s32 $0x60;
	s19 =	simm.s32 $0x1;
	v3 =	vadd.f32 v5, v3;
	v2 =	vadd.s32 v2, v6  }
0x35: {  	s20 =	simm.s32 $0x1000;
	s16 =	simm.s32 $0xFC0;
	p1 =	seq.s32 s17, $0x0;
	v63 =	vsel vm15, $0x0, v1;
	v4 =	vadd.s32 v4, v2  }
0x36: {  	s17 =	simm.s32 $0x800;
	s21 =	simm.s32 @!p1 $0x80;
	s15 =	simm.s32 $0xE000;
	v2 =	vadd.f32 v63, v3;
	[tilespmem:s14+$0x70] =	vst v4  }
.LBB2_2:
0x37: {  	[tilespmem:s16], [sflag:$0x1] =	stream.indirect.gather @!p1 [hbm4b:s0+s21], $0x1, s14, s21, $0xb8;
	[tilespmem:$0x1900] =	vst v63  }
0x38: {  	s21 =	smov.u32 s15;
	s15 =	sadd.s32 $0x8000, s15;
	s14 =	smov.u32 s17;
	v3 =	vld [tilespmem:s18+$0xFFFFFFE0]  }
0x39: {  	s16 =	smov.u32 s20;
	p0 =	sne.s32 s15, $0x86000;
	_ =	sdelay $0x3  }
0x3a: {  	vm0 =	veq.s32 v3, $0xFF  }
0x3b: {  	v4 =	vsel vm0, $0x0, v1;
	v3 =	vsel vm0, $0x0, v3  }
0x3c: {  	s22 =	sadd.s32 $0xFFFFA000, s21;
	v5 =	vshrl.u32 v3, $0x7  }
0x3d: {  	v6 =	vadd.s32 s22, v0;
	v5 =	vmul.u32 $0x380, v5  }
0x3e: {  	v3 =	vadd.s32 v3, v6  }
0x3f: {  	v3 =	vadd.s32 v5, v3  }
0x40: {  	[tilespmem:s17+$0x40] =	vst v3  }
0x41: {  	v3 =	vld [tilespmem:s18+$0xFFFFFFF0];
	_ =	sdelay $0x4  }
0x42: {  	vm0 =	veq.s32 v3, $0xFF  }
0x43: {  	v5 =	vsel vm0, $0x0, v1;
	v3 =	vsel vm0, $0x0, v3  }
0x44: {  	s22 =	sadd.s32 $0xFFFFC000, s21;
	v6 =	vshrl.u32 v3, $0x7  }
0x45: {  	v7 =	vadd.s32 s22, v0;
	v6 =	vmul.u32 $0x380, v6  }
0x46: {  	v3 =	vadd.s32 v3, v7  }
0x47: {  	v3 =	vadd.s32 v6, v3  }
0x48: {  	[tilespmem:s17+$0x50] =	vst v3  }
0x49: {  	v3 =	vld [tilespmem:s18+$0x0];
	_ =	sdelay $0x4  }
0x4a: {  	vm0 =	veq.s32 v3, $0xFF  }
0x4b: {  	v6 =	vsel vm0, $0x0, v1;
	v3 =	vsel vm0, $0x0, v3  }
0x4c: {  	s22 =	sadd.s32 $0xFFFFE000, s21;
	v7 =	vshrl.u32 v3, $0x7  }
0x4d: {  	v8 =	vadd.s32 s22, v0;
	v7 =	vmul.u32 $0x380, v7  }
0x4e: {  	v3 =	vadd.s32 v3, v8  }
0x4f: {  	v3 =	vadd.s32 v7, v3  }
0x50: {  	[tilespmem:s17+$0x60] =	vst v3  }
0x51: {  	v3 =	vld [tilespmem:s18+$0x10]  }
0x52: {  	v2 =	vadd.f32 v4, v2;
	_ =	sdelay $0x1  }
0x53: {  	v2 =	vadd.f32 v5, v2;
	_ =	sdelay $0x1  }
0x54: {  	v2 =	vadd.f32 v6, v2;
	vm0 =	veq.s32 v3, $0xFF  }
0x55: {  	v4 =	vsel vm0, $0x0, v1;
	v3 =	vsel vm0, $0x0, v3  }
.Ltmp0:
0x56: {  	v2 =	vadd.f32 v4, v2;
	v4 =	vshrl.u32 v3, $0x7;
	(pc) =	sbr.rel @p0 .LBB2_2-.Ltmp0, $4  }
0x57: {  	v5 =	vadd.s32 s21, v0;
	v4 =	vmul.u32 $0x380, v4  }
0x58: {  	s21 =	sand.u32 $0x1, s19;
	v3 =	vadd.s32 v3, v5  }
0x59: {  	p1 =	seq.s32 s21, $0x0;
	s17 =	sadd.s32 $0x40, s17;
	s18 =	sadd.s32 $0x40, s18;
	v3 =	vadd.s32 v4, v3  }
0x5a: {  	s20 =	sadd.s32 $0x40, s20;
	s19 =	sadd.s32 $0x1, s19;
	s21 =	simm.s32 @!p1 $0x80;
	[tilespmem:s14+$0x70] =	vst v3  }
0x5b: {  	[tilespmem:s16], [sflag:$0x1] =	stream.indirect.gather @!p1 [hbm4b:s0+s21], $0x1, s14, s21, $0xb8;
	[tilespmem:$0x1900] =	vst v63  }
0x5c: {  	s15 =	simm.s32 $0x430  }
0x5d: {  	v3 =	vld [tilespmem:s15+$0xFFFFFFD0];
	_ =	sdelay $0x4  }
0x5e: {  	vm0 =	veq.s32 v3, $0xFF  }
0x5f: {  	v3 =	vsel vm0, $0x0, v3  }
0x60: {  	s28 =	simm.s32 $0x80000;
	v4 =	vshrl.u32 v3, $0x7  }
0x61: {  	v5 =	vadd.s32 s28, v0;
	v4 =	vmul.u32 $0x380, v4  }
0x62: {  	v3 =	vadd.s32 v3, v5  }
0x63: {  	s14 =	simm.s32 $0xBC0;
	v3 =	vadd.s32 v4, v3  }
0x64: {  	[tilespmem:s14+$0x40] =	vst v3  }
0x65: {  	v3 =	vld [tilespmem:s15+$0xFFFFFFE0];
	_ =	sdelay $0x4  }
0x66: {  	vm1 =	veq.s32 v3, $0xFF  }
0x67: {  	v3 =	vsel vm1, $0x0, v3  }
0x68: {  	s29 =	simm.s32 $0x82000;
	v55 =	vshrl.u32 v3, $0x7  }
0x69: {  	v56 =	vadd.s32 s29, v0;
	v4 =	vmul.u32 $0x380, v55  }
0x6a: {  	v3 =	vadd.s32 v3, v56  }
0x6b: {  	v3 =	vadd.s32 v4, v3  }
0x6c: {  	[tilespmem:s14+$0x50] =	vst v3  }
0x6d: {  	v3 =	vld [tilespmem:s15+$0xFFFFFFF0];
	_ =	sdelay $0x4  }
0x6e: {  	vm2 =	veq.s32 v3, $0xFF  }
0x6f: {  	v3 =	vsel vm2, $0x0, v3  }
0x70: {  	s30 =	simm.s32 $0x84000;
	v57 =	vshrl.u32 v3, $0x7  }
0x71: {  	v58 =	vadd.s32 s30, v0;
	v4 =	vmul.u32 $0x380, v57  }
0x72: {  	v3 =	vadd.s32 v3, v58  }
0x73: {  	v3 =	vadd.s32 v4, v3  }
0x74: {  	[tilespmem:s14+$0x60] =	vst v3  }
0x75: {  	v3 =	vld [tilespmem:s15+$0x0];
	_ =	sdelay $0x3  }
0x76: {  	v59 =	vsel vm0, $0x0, v1  }
0x77: {  	v2 =	vadd.f32 v59, v2;
	vm15 =	veq.s32 v3, $0xFF  }
0x78: {  	v60 =	vsel vm1, $0x0, v1;
	v3 =	vsel vm15, $0x0, v3  }
0x79: {  	s31 =	simm.s32 $0x86000;
	v2 =	vadd.f32 v60, v2;
	v61 =	vshrl.u32 v3, $0x7  }
0x7a: {  	s17 =	simm.s32 $0x10;
	v6 =	vadd.s32 s31, v0;
	v62 =	vsel vm2, $0x0, v1;
	v4 =	vmul.u32 $0x380, v61  }
0x7b: {  	s16 =	simm.s32 $0x13C0;
	s18 =	simm.s32 $0x1400;
	s17 =	sand.u32 $0x1, s17;
	v2 =	vadd.f32 v62, v2;
	v3 =	vadd.s32 v3, v6  }
0x7c: {  	s19 =	simm.s32 $0x11;
	s20 =	simm.s32 $0x470;
	p1 =	seq.s32 s17, $0x0;
	v63 =	vsel vm15, $0x0, v1;
	v3 =	vadd.s32 v4, v3  }
0x7d: {  	s17 =	simm.s32 $0xC00;
	s21 =	simm.s32 @!p1 $0x80;
	s15 =	simm.s32 $0x8E000;
	v2 =	vadd.f32 v63, v2;
	[tilespmem:s14+$0x70] =	vst v3  }
.LBB2_4:
0x7e: {  	[tilespmem:s16], [sflag:$0x2] =	stream.indirect.gather @!p1 [hbm4b:s0+s21], $0x1, s14, s21, $0xb8;
	[tilespmem:$0x1900] =	vst v63  }
0x7f: {  	s21 =	smov.u32 s15;
	s15 =	sadd.s32 $0x8000, s15;
	s14 =	smov.u32 s17;
	v3 =	vld [tilespmem:s20+$0xFFFFFFD0]  }
0x80: {  	s16 =	smov.u32 s18;
	p0 =	sne.s32 s15, $0x106000;
	_ =	sdelay $0x3  }
0x81: {  	vm0 =	veq.s32 v3, $0xFF  }
0x82: {  	v4 =	vsel vm0, $0x0, v1;
	v3 =	vsel vm0, $0x0, v3  }
0x83: {  	s22 =	sadd.s32 $0xFFFFA000, s21;
	v5 =	vshrl.u32 v3, $0x7  }
0x84: {  	v6 =	vadd.s32 s22, v0;
	v5 =	vmul.u32 $0x380, v5  }
0x85: {  	v3 =	vadd.s32 v3, v6  }
0x86: {  	v3 =	vadd.s32 v5, v3  }
0x87: {  	[tilespmem:s17+$0x40] =	vst v3  }
0x88: {  	v3 =	vld [tilespmem:s20+$0xFFFFFFE0];
	_ =	sdelay $0x4  }
0x89: {  	vm0 =	veq.s32 v3, $0xFF  }
0x8a: {  	v5 =	vsel vm0, $0x0, v1;
	v3 =	vsel vm0, $0x0, v3  }
0x8b: {  	s22 =	sadd.s32 $0xFFFFC000, s21;
	v6 =	vshrl.u32 v3, $0x7  }
0x8c: {  	v7 =	vadd.s32 s22, v0;
	v6 =	vmul.u32 $0x380, v6  }
0x8d: {  	v3 =	vadd.s32 v3, v7  }
0x8e: {  	v3 =	vadd.s32 v6, v3  }
0x8f: {  	[tilespmem:s17+$0x50] =	vst v3  }
0x90: {  	v3 =	vld [tilespmem:s20+$0xFFFFFFF0];
	_ =	sdelay $0x4  }
0x91: {  	vm0 =	veq.s32 v3, $0xFF  }
0x92: {  	v6 =	vsel vm0, $0x0, v1;
	v3 =	vsel vm0, $0x0, v3  }
0x93: {  	s22 =	sadd.s32 $0xFFFFE000, s21;
	v7 =	vshrl.u32 v3, $0x7  }
0x94: {  	v8 =	vadd.s32 s22, v0;
	v7 =	vmul.u32 $0x380, v7  }
0x95: {  	v3 =	vadd.s32 v3, v8  }
0x96: {  	v3 =	vadd.s32 v7, v3  }
0x97: {  	[tilespmem:s17+$0x60] =	vst v3  }
0x98: {  	v3 =	vld [tilespmem:s20+$0x0]  }
0x99: {  	v2 =	vadd.f32 v4, v2;
	_ =	sdelay $0x1  }
0x9a: {  	v2 =	vadd.f32 v5, v2;
	_ =	sdelay $0x1  }
0x9b: {  	v2 =	vadd.f32 v6, v2;
	vm0 =	veq.s32 v3, $0xFF  }
0x9c: {  	v4 =	vsel vm0, $0x0, v1;
	v3 =	vsel vm0, $0x0, v3  }
.Ltmp1:
0x9d: {  	v2 =	vadd.f32 v4, v2;
	v4 =	vshrl.u32 v3, $0x7;
	(pc) =	sbr.rel @p0 .LBB2_4-.Ltmp1, $4  }
0x9e: {  	v5 =	vadd.s32 s21, v0;
	v4 =	vmul.u32 $0x380, v4  }
0x9f: {  	s21 =	sand.u32 $0x1, s19;
	v3 =	vadd.s32 v3, v5  }
0xa0: {  	s18 =	sadd.s32 $0x40, s18;
	p1 =	seq.s32 s21, $0x0;
	s17 =	sadd.s32 $0x40, s17;
	v3 =	vadd.s32 v4, v3  }
0xa1: {  	s19 =	sadd.s32 $0x1, s19;
	s21 =	simm.s32 @!p1 $0x80;
	s20 =	sadd.s32 $0x40, s20;
	[tilespmem:s14+$0x70] =	vst v3  }
0xa2: {  	[tilespmem:s16], [sflag:$0x2] =	stream.indirect.gather @!p1 [hbm4b:s0+s21], $0x1, s14, s21, $0xb8;
	[tilespmem:$0x1900] =	vst v63  }
0xa3: {  	_ =	swait.ge [sflag:s9], $0x400  }
0xa4: {  	[sflag:s9] =	ssyncset.done $0x0  }
0xa5: {  	s15 =	simm.s32 $0x0;
	[sflag:s9] =	ssyncadd.s32 $0xFFFFFC00  }
0xa6: {  	v3 =	vld [tilespmem:s15+$0x1000];
	_ =	sdelay $0x1  }
0xa7: {  	v4 =	vld [tilespmem:s15+$0x1010]  }
0xa8: {  	v5 =	vld [tilespmem:s15+$0x0]  }
0xa9: {  	v6 =	vld [tilespmem:s15+$0x1020]  }
0xaa: {  	v7 =	vld [tilespmem:s15+$0x10];
	v3 =	vsub.f32 $1.000000000e+00, v3  }
0xab: {  	v8 =	vld [tilespmem:s15+$0x1030]  }
0xac: {  	s14 =	simm.s32 $0x40;
	v9 =	vld [tilespmem:s15+$0x20];
	v4 =	vsub.f32 $1.000000000e+00, v4;
	v3 =	vmul.f32 v3, v3  }
0xad: {  	v10 =	vimm.f32 $0.0e+00;
	v11 =	vld [tilespmem:s14+$0x1000];
	vm0 =	veq.s32 v5, $0xFF  }
0xae: {  	v12 =	vld [tilespmem:s15+$0x30];
	v5 =	vsub.f32 $1.000000000e+00, v6;
	v4 =	vmul.f32 v4, v4;
	v3 =	vsel vm0, $0x0, v3  }
0xaf: {  	v13 =	vld [tilespmem:s14+$0x1010];
	vm13 =	veq.s32 v7, $0xFF;
	v3 =	vadd.f32 v3, v10  }
0xb0: {  	v6 =	vld [tilespmem:s14+$0x0];
	v8 =	vsub.f32 $1.000000000e+00, v8;
	v7 =	vsel vm13, $0x0, v4;
	v10 =	vmul.f32 v5, v5  }
0xb1: {  	vm14 =	veq.s32 v9, $0xFF;
	v4 =	vld [tilespmem:s14+$0x1020];
	v7 =	vadd.f32 v7, v3  }
0xb2: {  	v9 =	vsub.f32 $1.000000000e+00, v11;
	v11 =	vmul.f32 v8, v8;
	v5 =	vld [tilespmem:s14+$0x10];
	v10 =	vsel vm14, $0x0, v10  }
0xb3: {  	vm15 =	veq.s32 v12, $0xFF;
	v3 =	vld [tilespmem:s14+$0x1030];
	v8 =	vadd.f32 v10, v7  }
0xb4: {  	s16 =	simm.s32 $0x80;
	s15 =	simm.s32 $0x300;
	v9 =	vmul.f32 v9, v9;
	v11 =	vsel vm15, $0x0, v11;
	v10 =	vsub.f32 $1.000000000e+00, v13;
	v7 =	vld [tilespmem:s14+$0x20]  }
.LBB2_6:
0xb5: {  	p0 =	sne.s32 s15, $0xF00;
	v12 =	vld [tilespmem:s16+$0x1000];
	vm0 =	veq.s32 v6, $0xFF;
	v6 =	vadd.f32 v11, v8  }
0xb6: {  	v8 =	vsel vm0, $0x0, v9;
	v9 =	vmul.f32 v10, v10;
	v4 =	vsub.f32 $1.000000000e+00, v4;
	v10 =	vld [tilespmem:s14+$0x30];
	s14 =	smov.u32 s16  }
0xb7: {  	v11 =	vld [tilespmem:s14+$0x1010];
	v8 =	vadd.f32 v8, v6;
	vm0 =	veq.s32 v5, $0xFF  }
.Ltmp2:
0xb8: {  	v6 =	vld [tilespmem:s14+$0x0];
	v5 =	vsel vm0, $0x0, v9;
	v9 =	vmul.f32 v4, v4;
	v3 =	vsub.f32 $1.000000000e+00, v3;
	(pc) =	sbr.rel @p0 .LBB2_6-.Ltmp2, $4  }
0xb9: {  	v4 =	vld [tilespmem:s14+$0x1020];
	v8 =	vadd.f32 v5, v8;
	vm0 =	veq.s32 v7, $0xFF  }
0xba: {  	v7 =	vsub.f32 $1.000000000e+00, v12;
	v5 =	vld [tilespmem:s14+$0x10];
	v9 =	vsel vm0, $0x0, v9;
	v12 =	vmul.f32 v3, v3  }
0xbb: {  	v3 =	vld [tilespmem:s14+$0x1030];
	v8 =	vadd.f32 v9, v8;
	vm0 =	veq.s32 v10, $0xFF  }
0xbc: {  	s16 =	sshra.s32 s15, $0x2;
	s15 =	sadd.s32 $0x100, s15;
	v9 =	vmul.f32 v7, v7;
	v10 =	vsub.f32 $1.000000000e+00, v11;
	v7 =	vld [tilespmem:s14+$0x20];
	v11 =	vsel vm0, $0x0, v12  }
0xbd: {  	v12 =	vld [tilespmem:s16+$0x1000]  }
0xbe: {  	v13 =	vld [tilespmem:s14+$0x30]  }
0xbf: {  	v14 =	vld [tilespmem:s16+$0x1010]  }
0xc0: {  	v15 =	vld [tilespmem:s16+$0x0];
	vm0 =	veq.s32 v6, $0xFF;
	v6 =	vadd.f32 v11, v8  }
0xc1: {  	v8 =	vld [tilespmem:s16+$0x1020];
	v9 =	vsel vm0, $0x0, v9;
	v10 =	vmul.f32 v10, v10;
	v4 =	vsub.f32 $1.000000000e+00, v4  }
0xc2: {  	v11 =	vld [tilespmem:s16+$0x10];
	v6 =	vadd.f32 v9, v6;
	vm5 =	veq.s32 v5, $0xFF  }
0xc3: {  	v5 =	vld [tilespmem:s16+$0x1030];
	v9 =	vsel vm5, $0x0, v10;
	v4 =	vmul.f32 v4, v4;
	v3 =	vsub.f32 $1.000000000e+00, v3  }
0xc4: {  	v10 =	vld [tilespmem:s16+$0x20];
	v6 =	vadd.f32 v9, v6;
	vm6 =	veq.s32 v7, $0xFF  }
0xc5: {  	v7 =	vld [tilespmem:s16+$0x30];
	_ =	swait.ge [sflag:s10], $0x400;
	v4 =	vsel vm6, $0x0, v4;
	v9 =	vsub.f32 $1.000000000e+00, v12;
	v3 =	vmul.f32 v3, v3  }
0xc6: {  	vm7 =	veq.s32 v13, $0xFF;
	[sflag:s10] =	ssyncset.done $0x0;
	v4 =	vadd.f32 v4, v6  }
0xc7: {  	s15 =	simm.s32 $0x0;
	[sflag:s10] =	ssyncadd.s32 $0xFFFFFC00;
	v3 =	vsel vm7, $0x0, v3;
	v6 =	vmul.f32 v9, v9;
	v9 =	vsub.f32 $1.000000000e+00, v14  }
0xc8: {  	vm8 =	veq.s32 v15, $0xFF;
	v3 =	vadd.f32 v3, v4;
	v4 =	vld [tilespmem:s15+$0x1400]  }
0xc9: {  	v8 =	vsub.f32 $1.000000000e+00, v8;
	v6 =	vsel vm8, $0x0, v6;
	v9 =	vmul.f32 v9, v9  }
0xca: {  	vm9 =	veq.s32 v11, $0xFF;
	v3 =	vadd.f32 v6, v3;
	v6 =	vld [tilespmem:s15+$0x1410]  }
0xcb: {  	v8 =	vmul.f32 v8, v8;
	v5 =	vsub.f32 $1.000000000e+00, v5;
	v11 =	vld [tilespmem:s15+$0x400];
	v9 =	vsel vm9, $0x0, v9  }
0xcc: {  	vm10 =	veq.s32 v10, $0xFF;
	v3 =	vadd.f32 v9, v3;
	v9 =	vld [tilespmem:s15+$0x1420]  }
0xcd: {  	v10 =	vld [tilespmem:s15+$0x410];
	v8 =	vsel vm10, $0x0, v8;
	v5 =	vmul.f32 v5, v5;
	v4 =	vsub.f32 $1.000000000e+00, v4  }
0xce: {  	vm11 =	veq.s32 v7, $0xFF;
	v7 =	vld [tilespmem:s15+$0x1430];
	v3 =	vadd.f32 v8, v3  }
0xcf: {  	s14 =	simm.s32 $0x40;
	v5 =	vsel vm11, $0x0, v5;
	v8 =	vld [tilespmem:s15+$0x420];
	v4 =	vmul.f32 v4, v4;
	v6 =	vsub.f32 $1.000000000e+00, v6  }
0xd0: {  	v61 =	vld [tilespmem:s14+$0x1400];
	vm12 =	veq.s32 v11, $0xFF;
	v3 =	vadd.f32 v5, v3  }
0xd1: {  	v11 =	vld [tilespmem:s15+$0x430];
	v4 =	vsel vm12, $0x0, v4;
	v6 =	vmul.f32 v6, v6;
	v9 =	vsub.f32 $1.000000000e+00, v9  }
0xd2: {  	v62 =	vld [tilespmem:s14+$0x1410];
	vm13 =	veq.s32 v10, $0xFF;
	v3 =	vadd.f32 v4, v3  }
0xd3: {  	v7 =	vsub.f32 $1.000000000e+00, v7;
	v5 =	vld [tilespmem:s14+$0x400];
	v4 =	vsel vm13, $0x0, v6;
	v9 =	vmul.f32 v9, v9  }
0xd4: {  	v6 =	vld [tilespmem:s14+$0x1420];
	vm14 =	veq.s32 v8, $0xFF;
	v10 =	vadd.f32 v4, v3  }
0xd5: {  	v12 =	vsub.f32 $1.000000000e+00, v61;
	v63 =	vmul.f32 v7, v7;
	v4 =	vld [tilespmem:s14+$0x410];
	v8 =	vsel vm14, $0x0, v9  }
0xd6: {  	vm15 =	veq.s32 v11, $0xFF;
	v3 =	vld [tilespmem:s14+$0x1430];
	v8 =	vadd.f32 v8, v10  }
0xd7: {  	s16 =	simm.s32 $0x300;
	s15 =	simm.s32 $0x80;
	v7 =	vld [tilespmem:s14+$0x420];
	v11 =	vsel vm15, $0x0, v63;
	v9 =	vmul.f32 v12, v12;
	v10 =	vsub.f32 $1.000000000e+00, v62  }
.LBB2_8:
0xd8: {  	p0 =	sne.s32 s16, $0xF00;
	v12 =	vld [tilespmem:s15+$0x1400];
	vm0 =	veq.s32 v5, $0xFF;
	v5 =	vadd.f32 v11, v8  }
0xd9: {  	v8 =	vsel vm0, $0x0, v9;
	v9 =	vmul.f32 v10, v10;
	v6 =	vsub.f32 $1.000000000e+00, v6;
	v10 =	vld [tilespmem:s14+$0x430];
	s14 =	smov.u32 s15  }
0xda: {  	v11 =	vld [tilespmem:s14+$0x1410];
	v8 =	vadd.f32 v8, v5;
	vm0 =	veq.s32 v4, $0xFF  }
.Ltmp3:
0xdb: {  	v5 =	vld [tilespmem:s14+$0x400];
	v4 =	vsel vm0, $0x0, v9;
	v9 =	vmul.f32 v6, v6;
	v3 =	vsub.f32 $1.000000000e+00, v3;
	(pc) =	sbr.rel @p0 .LBB2_8-.Ltmp3, $4  }
0xdc: {  	v6 =	vld [tilespmem:s14+$0x1420];
	v8 =	vadd.f32 v4, v8;
	vm0 =	veq.s32 v7, $0xFF  }
0xdd: {  	v7 =	vsub.f32 $1.000000000e+00, v12;
	v4 =	vld [tilespmem:s14+$0x410];
	v9 =	vsel vm0, $0x0, v9;
	v12 =	vmul.f32 v3, v3  }
0xde: {  	v3 =	vld [tilespmem:s14+$0x1430];
	v8 =	vadd.f32 v9, v8;
	vm0 =	veq.s32 v10, $0xFF  }
0xdf: {  	s15 =	sshra.s32 s16, $0x2;
	s16 =	sadd.s32 $0x100, s16;
	v9 =	vmul.f32 v7, v7;
	v10 =	vsub.f32 $1.000000000e+00, v11;
	v7 =	vld [tilespmem:s14+$0x420];
	v11 =	vsel vm0, $0x0, v12  }
0xe0: {  	v12 =	vld [tilespmem:s15+$0x1400];
	vm0 =	veq.s32 v5, $0xFF;
	v41 =	vadd.f32 v11, v8  }
0xe1: {  	v44 =	vld [tilespmem:s14+$0x430];
	v42 =	vsel vm0, $0x0, v9;
	v43 =	vmul.f32 v10, v10;
	v6 =	vsub.f32 $1.000000000e+00, v6  }
0xe2: {  	v45 =	vld [tilespmem:s15+$0x1410];
	v5 =	vadd.f32 v42, v41;
	vm9 =	veq.s32 v4, $0xFF  }
0xe3: {  	v46 =	vld [tilespmem:s15+$0x400];
	v47 =	vsel vm9, $0x0, v43;
	v6 =	vmul.f32 v6, v6;
	v3 =	vsub.f32 $1.000000000e+00, v3  }
0xe4: {  	v48 =	vld [tilespmem:s15+$0x1420];
	v5 =	vadd.f32 v47, v5;
	vm10 =	veq.s32 v7, $0xFF  }
0xe5: {  	v50 =	vld [tilespmem:s15+$0x410];
	v49 =	vsub.f32 $1.000000000e+00, v12;
	v6 =	vsel vm10, $0x0, v6;
	v3 =	vmul.f32 v3, v3  }
0xe6: {  	v51 =	vld [tilespmem:s15+$0x1430];
	vm11 =	veq.s32 v44, $0xFF;
	v5 =	vadd.f32 v6, v5  }
0xe7: {  	v54 =	vld [tilespmem:s15+$0x420];
	v53 =	vsub.f32 $1.000000000e+00, v45;
	v52 =	vmul.f32 v49, v49;
	v3 =	vsel vm11, $0x0, v3  }
0xe8: {  	vm12 =	veq.s32 v46, $0xFF;
	v3 =	vadd.f32 v3, v5  }
0xe9: {  	v57 =	vld [tilespmem:s15+$0x430];
	v56 =	vsub.f32 $1.000000000e+00, v48;
	v55 =	vmul.f32 v53, v53;
	v4 =	vsel vm12, $0x0, v52  }
0xea: {  	vm13 =	veq.s32 v50, $0xFF;
	v3 =	vadd.f32 v4, v3  }
0xeb: {  	v60 =	vsub.f32 $1.000000000e+00, v51;
	v59 =	vmul.f32 v56, v56;
	v58 =	vsel vm13, $0x0, v55  }
0xec: {  	vm14 =	veq.s32 v54, $0xFF;
	v3 =	vadd.f32 v58, v3  }
0xed: {  	v62 =	vmul.f32 v60, v60;
	v61 =	vsel vm14, $0x0, v59  }
0xee: {  	vm15 =	veq.s32 v57, $0xFF;
	v3 =	vadd.f32 v61, v3  }
0xef: {  	v63 =	vsel vm15, $0x0, v62  }
0xf0: {  	v3 =	vadd.f32 v63, v3  }
0xf1: {  	[tilespmem:$0x1880] =	vst v2  }
0xf2: {  	[tilespmem:$0x1800] =	vst v3  }
0xf3: {  	[hbm4b:s5+s3] =	stream.linear.scatter [tilespmem:s11], [sflag:$0x3], $0x10, $0x38;
	[tilespmem:$0x1900] =	vst v63  }
0xf4: {  	s13 =	sadd.s32 $0x1, s13;
	_ =	swait.ge [sflag:s8], $0x10  }
0xf5: {  	p0 =	sne.s32 s13, s7;
	[sflag:s8] =	ssyncset.done $0x0  }
.Ltmp4:
0xf6: {  	[sflag:s8] =	ssyncadd.s32 $0xFFFFFFF0;
	(pc) =	sbr.rel @p0 .LBB2_1-.Ltmp4, $4  }
0xf7: {  	[hbm4b:s6+s3] =	stream.linear.scatter [tilespmem:s12], [sflag:$0x3], $0x10, $0x38;
	[tilespmem:$0x1900] =	vst v63  }
0xf8: {  	_ =	swait.ge [sflag:s8], $0x10  }
0xf9: {  	[sflag:s8] =	ssyncset.done $0x0  }
0xfa: {  	[sflag:s8] =	ssyncadd.s32 $0xFFFFFFF0  }
0xfb: {  	_ =	sfence.sel $0x180000  }
0xfc: {  	[bflag:$0x0] =	sbarrier.arrive $0xFFFF  }
0xfd: {  	p0 =	sne.s32 s2, $0x0;
	_ =	strace $0x90000047  }
0xfe: {  	s0 =	sadd.s32 @!p0 $0x100000, s1;
	[bflag:$0x2] =	sbarrier.arrive $0xFFFF  }
0xff: {  	[sflag:s0] =	ssyncadd.tile.s32 @!p0 $0x1;
	_ =	shalt  }
.Lfunc_end2:
_tile_overlayer_lowered:
.L_overlay_start_2:
0x100: {  	(tag) =	ssettag $0x2  }
0x101: {  	s0 =	rddreg [dreg:$0x0];
	s2 =	stileid.u32  }
0x102: {  	s1 =	rddreg [dreg:$0x1];
	p0 =	sne.s32 s2, $0x0  }
0x103: {  	s3 =	rddreg [dreg:$0x2];
	[bflag:$0x3] =	sbarrier.arrive $0xFFFF;
	s2 =	simm.s32 @!p0 $0x1C03  }
0x104: {  	[timem:s3], [sflag:s2] =	dma.local @!p0 [hbm:s0], s1  }
0x105: {  	s0 =	simm.s32 @!p0 $0x3  }
0x106: {  	_ =	swait.ge @!p0 [sflag:s0], s1  }
0x107: {  	s1 =	ssub.s32 @!p0 $0x0, s1;
	[sflag:s0] =	ssyncset.done @!p0 $0x0  }
0x108: {  	[sflag:s0] =	ssyncadd.s32 @!p0 s1  }
0x109: {  	[bflag:$0x3] =	sbarrier.arrive $0xFFFF  }
0x10a: {  	_ =	shalt  }

</sc_bundles>
